<compile_context>
chip_gen: v7x
topology: tpu7x:2x2x1
jax: 0.10.2.dev20260603
libtpu: 0.0.44.dev20260713+nightly
codegen_flags: <defaults>
</compile_context>

<pallas_src>
import functools

import jax
import jax.numpy as jnp
from jax import lax
from jax.experimental import pallas as pl
from jax.experimental.pallas import tpu as pltpu, tpu_sc as plsc

N = 10000
E = 160000
D = 256
H = 256
A = 64
C = 16
NC = 2

NP = 10240
NSUB = 16
NCORE = 2
RPT = NP // NSUB
CH = 80
EPT = E // NSUB
TCHUNKS = EPT // CH

f32 = jnp.float32

_sc_mesh = plsc.VectorSubcoreMesh(core_axis_name="c", subcore_axis_name="s",
                                  num_cores=NCORE, num_subcores=NSUB)
_no_layout = pltpu.CompilerParams(needs_layout_passes=False)


def _zero_1d(ref, n):
    def z(i, _):
        ref[pl.ds(i * 16, 16)] = jnp.zeros((16,), f32)
        return 0
    lax.fori_loop(0, n // 16, z, 0)


def _pipe_loop(tbl, src1d, dst1d, agg_sh, tb, start, count,
               SRC, DST, ROWS, SS, DS, GS, on_chunk=None):
    last = start + count - 1

    def stage(b, c):
        off = tb + jnp.minimum(c, last) * CH
        pltpu.async_copy(src1d.at[pl.ds(off, CH)], SRC[b], SS[b])
        pltpu.async_copy(dst1d.at[pl.ds(off, CH)], DST[b], DS[b])

    def wait_stage(b):
        pltpu.make_async_copy(src1d.at[pl.ds(0, CH)], SRC[b], SS[b]).wait()
        pltpu.make_async_copy(dst1d.at[pl.ds(0, CH)], DST[b], DS[b]).wait()

    def gather(b):
        pltpu.async_copy(tbl.at[SRC[b]], ROWS[b], GS[b])

    def wait_gather(b):
        pltpu.make_async_copy(tbl.at[pl.ds(0, CH)], ROWS[b], GS[b]).wait()

    def scatter(b):
        pltpu.sync_copy(ROWS[b], agg_sh.at[DST[b]], add=True)
        if on_chunk is not None:
            on_chunk(b)

    stage(0, start)
    wait_stage(0)
    gather(0)
    stage(1, start + 1)

    def body(p, _):
        c0 = start + 2 * p
        wait_gather(0)
        wait_stage(1)
        gather(1)
        scatter(0)
        stage(0, c0 + 2)
        wait_gather(1)
        wait_stage(0)
        gather(0)
        scatter(1)
        stage(1, c0 + 3)
        return 0
    lax.fori_loop(0, count // 2, body, 0)

    wait_gather(0)
    if count % 2:
        scatter(0)
    wait_stage(1)


@functools.partial(
    pl.kernel,
    out_type=[
        jax.ShapeDtypeStruct((NP, 128), f32),
        jax.ShapeDtypeStruct((NP, 128), f32),
        jax.ShapeDtypeStruct((NSUB * NP,), f32),
    ],
    mesh=_sc_mesh,
    scratch_types=[
        pltpu.VMEM((CH,), jnp.int32),
        pltpu.VMEM((CH,), jnp.int32),
        pltpu.VMEM((CH,), jnp.int32),
        pltpu.VMEM((CH,), jnp.int32),
        pltpu.VMEM((CH, 128), f32),
        pltpu.VMEM((CH, 128), f32),
        pltpu.VMEM((NP,), f32),
        pltpu.VMEM_SHARED((NP, 128), f32),
        pltpu.SemaphoreType.DMA,
        pltpu.SemaphoreType.DMA,
        pltpu.SemaphoreType.DMA,
        pltpu.SemaphoreType.DMA,
        pltpu.SemaphoreType.DMA,
        pltpu.SemaphoreType.DMA,
    ],
    compiler_params=_no_layout,
)
def _sc_edge_agg(y_lo, y_hi, src1d, dst1d, zeros128, agg_lo_out, agg_hi_out,
                 deg_out, src_v0, src_v1, dst_v0, dst_v1, rows_v0, rows_v1,
                 deg_v, agg_sh, ssem0, ssem1, dsem0, dsem1, gsem0, gsem1):
    cid = lax.axis_index("c")
    sid = lax.axis_index("s")
    r0 = sid * RPT
    tb = sid * EPT

    pltpu.sync_copy(zeros128, rows_v0)

    def z(k, _):
        pltpu.sync_copy(rows_v0, agg_sh.at[pl.ds(r0 + k * CH, CH)])
        return 0
    lax.fori_loop(0, RPT // CH, z, 0)
    _zero_1d(deg_v, NP)
    plsc.subcore_barrier()

    DST = [dst_v0, dst_v1]
    kw = dict(SRC=[src_v0, src_v1], DST=DST, ROWS=[rows_v0, rows_v1],
              SS=[ssem0, ssem1], DS=[dsem0, dsem1], GS=[gsem0, gsem1])
    ones16 = jnp.full((16,), 1.0, f32)

    def deg_add(b):
        for k in range(CH // 16):
            di = DST[b][pl.ds(k * 16, 16)]
            plsc.addupdate_scatter(deg_v, [di], ones16)

    @pl.when(cid == 0)
    def _():
        _pipe_loop(y_lo, src1d, dst1d, agg_sh, tb, 0, TCHUNKS,
                   on_chunk=deg_add, **kw)

    @pl.when(cid == 1)
    def _():
        _pipe_loop(y_hi, src1d, dst1d, agg_sh, tb, 0, TCHUNKS, **kw)

    plsc.subcore_barrier()

    @pl.when(cid == 0)
    def _():
        pltpu.sync_copy(agg_sh.at[pl.ds(r0, RPT)], agg_lo_out.at[pl.ds(r0, RPT)])
        pltpu.sync_copy(deg_v, deg_out.at[pl.ds(sid * NP, NP)])

    @pl.when(cid == 1)
    def _():
        pltpu.sync_copy(agg_sh.at[pl.ds(r0, RPT)], agg_hi_out.at[pl.ds(r0, RPT)])


@functools.partial(
    pl.kernel,
    out_type=jax.ShapeDtypeStruct((NSUB * NP,), f32),
    mesh=_sc_mesh,
    scratch_types=[
        pltpu.VMEM((NP,), f32),
        pltpu.VMEM((NP,), f32),
        pltpu.VMEM((EPT,), jnp.int32),
        pltpu.VMEM((EPT,), jnp.int32),
    ],
    compiler_params=_no_layout,
)
def _sc_scalar_agg(s_tbl, src1d, dst1d, aggs_out, tbl_v, acc_v, src_v, dst_v):
    cid = lax.axis_index("c")
    sid = lax.axis_index("s")

    @pl.when(cid == 0)
    def _():
        tb = sid * EPT
        _zero_1d(acc_v, NP)
        pltpu.sync_copy(s_tbl, tbl_v)
        pltpu.sync_copy(src1d.at[pl.ds(tb, EPT)], src_v)
        pltpu.sync_copy(dst1d.at[pl.ds(tb, EPT)], dst_v)

        def step(k, _):
            si = src_v[pl.ds(k * 16, 16)]
            di = dst_v[pl.ds(k * 16, 16)]
            vals = plsc.load_gather(tbl_v, [si])
            plsc.addupdate_scatter(acc_v, [di], vals)
            return 0
        lax.fori_loop(0, EPT // 16, step, 0)
        pltpu.sync_copy(acc_v, aggs_out.at[pl.ds(sid * NP, NP)])


_R = 1280
_G = NP // _R


def _tc1_body(ph, pr, wl, wr, ylo, yhi, z):
    a = ph[...]
    b = jnp.abs(a - pr[...])
    y = (jnp.dot(a, wl[:D, :], preferred_element_type=f32)
         + jnp.dot(b, wl[D:, :], preferred_element_type=f32))
    ylo[...] = y[:, :128]
    yhi[...] = y[:, 128:]
    z[...] = (jnp.dot(a, wr[:D, :], preferred_element_type=f32)
              + jnp.dot(b, wr[D:, :], preferred_element_type=f32))


def _tc2_body(agg_lo, agg_hi, degp, z, b1r, w2, x1o, so):
    dg = jnp.sum(degp[...], axis=0)[:, None]
    inv = 1.0 / jnp.maximum(dg, 1.0)
    mean = jnp.concatenate([agg_lo[...], agg_hi[...]], axis=1) * inv
    x1 = jnp.maximum(mean + z[...] + b1r[...], 0.0)
    x1o[...] = x1
    so[...] = jnp.dot(x1, w2[...], preferred_element_type=f32)


def _tc3_body(x1, s, aggsp, degp, clin, wx, bx, wc2, bc,
              ws2, bs, wfc, bfc, b2, out_o, aw_o):
    ws2a = ws2[...]
    alpha = jnp.sum(ws2a[:, :A] * wx[...], axis=1)
    cterm = jnp.reshape(clin[...], (C, 1)) * wc2[...] + bc[...]
    beta = (jnp.sum(bx[...] * ws2a[:, :A], axis=1)
            + jnp.sum(cterm * ws2a[:, A:], axis=1)
            + bs[...][:, 0])

    dgc = jnp.maximum(jnp.sum(degp[...], axis=0)[:, None], 1.0)
    agg = jnp.sum(aggsp[...], axis=0)[:, None]
    t = agg / dgc + s[...][:, 1:2] + b2[...]
    aw = jax.nn.sigmoid(t * alpha[None, :] + beta[None, :])
    aw_o[...] = aw

    rows = lax.broadcasted_iota(jnp.int32, (NP, 1), 0)
    valid = rows < N
    r = jnp.sum(aw, axis=1, keepdims=True)
    rm = jnp.where(valid, r, -jnp.inf)
    e = jnp.where(valid, jnp.exp(rm - jnp.max(rm)), 0.0)
    w = e / jnp.sum(e)
    xp = lax.dot_general(w, x1[...], (((0,), (0,)), ((), ())),
                         preferred_element_type=f32)
    wfca = wfc[...]
    logits = (jnp.dot(xp, wfca[:H, :], preferred_element_type=f32)
              + jnp.dot(clin[...], wfca[H:, :], preferred_element_type=f32)
              + bfc[...])
    out_o[...] = jax.nn.sigmoid(logits)


def kernel(phenotypes, prototypes, edge_index, clinical_features,
           W1l, W1r, b1, W2l, W2r, b2, Wx, bx, Wc, bc, Ws, bs, Wfc, bfc):
    pad = ((0, NP - N), (0, 0))
    phen_p = jnp.pad(phenotypes, pad)
    prot_p = jnp.pad(prototypes, pad)
    src1d = edge_index[0]
    dst1d = edge_index[1]
    zeros128 = jnp.zeros((CH, 128), f32)
    w2cat = jnp.pad(jnp.concatenate([W2l, W2r], axis=1), ((0, 0), (0, 14)))
    ws2 = Ws.reshape(C, 2 * A)
    wc2 = Wc.reshape(C, A)
    b1r = b1.reshape(1, H)
    b2r = b2.reshape(1, 1)
    bxr = bx.reshape(1, A)
    bfcr = bfc.reshape(1, NC)

    full = lambda shp: pl.BlockSpec(shp, lambda i: (0,) * len(shp))
    rowblk = lambda cols: pl.BlockSpec((_R, cols), lambda i: (i, 0))

    y_lo, y_hi, z = pl.pallas_call(
        _tc1_body,
        grid=(_G,),
        in_specs=[rowblk(D), rowblk(D), full((2 * D, H)), full((2 * D, H))],
        out_specs=[rowblk(128), rowblk(128), rowblk(H)],
        out_shape=[
            jax.ShapeDtypeStruct((NP, 128), f32),
            jax.ShapeDtypeStruct((NP, 128), f32),
            jax.ShapeDtypeStruct((NP, H), f32),
        ],
    )(phen_p, prot_p, W1l, W1r)

    agg_lo, agg_hi, deg_flat = _sc_edge_agg(y_lo, y_hi, src1d, dst1d,
                                            zeros128)
    degp = deg_flat.reshape(NSUB, NP)

    x1, s = pl.pallas_call(
        _tc2_body,
        grid=(_G,),
        in_specs=[rowblk(128), rowblk(128),
                  pl.BlockSpec((NSUB, _R), lambda i: (0, i)),
                  rowblk(H), full((1, H)), full((H, 16))],
        out_specs=[rowblk(H), rowblk(16)],
        out_shape=[
            jax.ShapeDtypeStruct((NP, H), f32),
            jax.ShapeDtypeStruct((NP, 16), f32),
        ],
    )(agg_lo, agg_hi, degp, z, b1r, w2cat)

    s_l = s[:, 0]
    aggs_flat = _sc_scalar_agg(s_l, src1d, dst1d)
    aggsp = aggs_flat.reshape(NSUB, NP)

    out, aw = pl.pallas_call(
        _tc3_body,
        out_shape=[
            jax.ShapeDtypeStruct((1, NC), f32),
            jax.ShapeDtypeStruct((NP, C), f32),
        ],
    )(x1, s, aggsp, degp, clinical_features, Wx, bxr, wc2,
      bc, ws2, bs, Wfc, bfcr, b2r)

    return (out, aw[:N].reshape(N, C, 1))

# --- scband reference (transcript-rebuilt; emitter-appended) ---
"""Pipeline reference for scband-gcnmodel-52707838657079 (READ-ONLY COPY).

The authoritative reference and input builder live on the scoring server;
editing this copy changes nothing except your own understanding.
"""

import jax, jax.numpy as jnp
import numpy as np

N = 10000
E = 160000
D = 256
H = 256
A = 64
C = 16
NC = 2


def _sage(x, src, dst, Wl, Wr, b):
    # PyG SAGEConv with mean aggregation: lin_l(mean_{j in N(i)} x_j) + lin_r(x_i)
    msg = x[src]
    agg = jax.ops.segment_sum(msg, dst, num_segments=N)
    deg = jax.ops.segment_sum(jnp.ones((E,), dtype=x.dtype), dst, num_segments=N)
    mean = agg / jnp.clip(deg, 1.0)[:, None]
    return mean @ Wl + x @ Wr + b


def setup_inputs(seed: int = 0):
    key = jax.random.key(seed)
    ks = jax.random.split(key, 24)
    s = 0.05
    inp = {}
    inp["phenotypes"] = jax.random.normal(ks[0], (N, D), dtype=jnp.float32)
    inp["prototypes"] = jax.random.normal(ks[1], (N, D), dtype=jnp.float32)
    inp["edge_index"] = jax.random.randint(ks[2], (2, E), 0, N, dtype=jnp.int32)
    inp["clinical_features"] = jax.random.normal(ks[3], (1, C), dtype=jnp.float32)
    inp["W1l"] = jax.random.normal(ks[4], (2 * D, H), dtype=jnp.float32) * s
    inp["W1r"] = jax.random.normal(ks[5], (2 * D, H), dtype=jnp.float32) * s
    inp["b1"] = jnp.zeros((H,), dtype=jnp.float32)
    inp["W2l"] = jax.random.normal(ks[6], (H, 1), dtype=jnp.float32) * s
    inp["W2r"] = jax.random.normal(ks[7], (H, 1), dtype=jnp.float32) * s
    inp["b2"] = jnp.zeros((1,), dtype=jnp.float32)
    inp["Wx"] = jax.random.normal(ks[8], (1, A), dtype=jnp.float32) * s
    inp["bx"] = jnp.zeros((A,), dtype=jnp.float32)
    inp["Wc"] = jax.random.normal(ks[9], (C, 1, A), dtype=jnp.float32) * s
    inp["bc"] = jnp.zeros((C, A), dtype=jnp.float32)
    inp["Ws"] = jax.random.normal(ks[10], (C, 2 * A, 1), dtype=jnp.float32) * s
    inp["bs"] = jnp.zeros((C, 1), dtype=jnp.float32)
    inp["Wfc"] = jax.random.normal(ks[11], (C + H, NC), dtype=jnp.float32) * s
    inp["bfc"] = jnp.zeros((NC,), dtype=jnp.float32)
    return inp


def reference(phenotypes, prototypes, edge_index, clinical_features, W1l, W1r, b1, W2l, W2r, b2, Wx, bx, Wc, bc, Ws, bs, Wfc, bfc):
    src = edge_index[0]
    dst = edge_index[1]
    x = jnp.concatenate([phenotypes, jnp.abs(phenotypes - prototypes)], axis=1)
    x1 = jax.nn.relu(_sage(x, src, dst, W1l, W1r, b1))
    xa = _sage(x1, src, dst, W2l, W2r, b2)
    xa = xa @ Wx + bx
    xa = xa[:, None, :]
    clinical_attn = jnp.broadcast_to(clinical_features.reshape(1, C, 1), (N, C, 1))
    aw_list = []
    for i in range(C):
        clinic_feat = clinical_attn[:, i:i + 1, :]
        clinic_attn_i = clinic_feat @ Wc[i] + bc[i]
        combined = jnp.concatenate([xa, clinic_attn_i], axis=-1)
        score = combined @ Ws[i] + bs[i]
        aw_list.append(jax.nn.sigmoid(score))
    aw_clinic = jnp.concatenate(aw_list, axis=1)
    aw_sum = jax.nn.softmax(aw_clinic.sum(axis=1), axis=0).T
    x_pool = aw_sum @ x1
    combined_features = jnp.concatenate([x_pool, clinical_features], axis=1)
    output = jax.nn.sigmoid(combined_features @ Wfc + bfc)
    return (output, aw_clinic)

if __name__ == "__main__":
    import jax
    _d = setup_inputs()
    print(jax.jit(kernel)(*tuple(_d.values())))

</pallas_src>

<mosaic_0001>
#map = affine_map<(d0, d1) -> (0, 0)>
#map1 = affine_map<(d0, d1) -> (0)>
module attributes {stable_mosaic.version = 14 : i64} {
  func.func @_sc_edge_agg(%arg0: i32, %arg1: i32, %arg2: memref<10240x128xf32, #tpu.memory_space<hbm>>, %arg3: memref<10240x128xf32, #tpu.memory_space<hbm>>, %arg4: memref<160000xi32, #tpu.memory_space<hbm>>, %arg5: memref<160000xi32, #tpu.memory_space<hbm>>, %arg6: memref<80x128xf32, #tpu.memory_space<hbm>>, %arg7: memref<10240x128xf32, #tpu.memory_space<hbm>>, %arg8: memref<10240x128xf32, #tpu.memory_space<hbm>>, %arg9: memref<163840xf32, #tpu.memory_space<hbm>>, %arg10: memref<80xi32, #tpu.memory_space<vmem>>, %arg11: memref<80xi32, #tpu.memory_space<vmem>>, %arg12: memref<80xi32, #tpu.memory_space<vmem>>, %arg13: memref<80xi32, #tpu.memory_space<vmem>>, %arg14: memref<80x128xf32, #tpu.memory_space<vmem>>, %arg15: memref<80x128xf32, #tpu.memory_space<vmem>>, %arg16: memref<10240xf32, #tpu.memory_space<vmem>>, %arg17: memref<10240x128xf32, #tpu.memory_space<vmem_shared>>, %arg18: memref<!tpu.dma_semaphore, #tpu.memory_space<semaphore_mem>>, %arg19: memref<!tpu.dma_semaphore, #tpu.memory_space<semaphore_mem>>, %arg20: memref<!tpu.dma_semaphore, #tpu.memory_space<semaphore_mem>>, %arg21: memref<!tpu.dma_semaphore, #tpu.memory_space<semaphore_mem>>, %arg22: memref<!tpu.dma_semaphore, #tpu.memory_space<semaphore_mem>>, %arg23: memref<!tpu.dma_semaphore, #tpu.memory_space<semaphore_mem>>) attributes {dimension_semantics = [#tpu.dimension_semantics<core_parallel>, #tpu.dimension_semantics<subcore_parallel>], iteration_bounds = array<i64: 2, 16>, scalar_prefetch = 0 : i64, scratch_operands = 14 : i64, tpu.core_type = #tpu.core_type<sc_vector_subcore>, window_params = [{transform_indices = #map}, {transform_indices = #map}, {transform_indices = #map1}, {transform_indices = #map1}, {transform_indices = #map}, {transform_indices = #map}, {transform_indices = #map}, {transform_indices = #map1}]} {
    %mul3A = arith.constant 640 : i32
    %mul3A_0 = arith.muli %arg1, %mul3A : i32
    %mul3A_1 = arith.constant 10000 : i32
    %mul3A_2 = arith.muli %arg1, %mul3A_1 : i32
    "tpu.region"() ({
      %run_scoped3A = tpu.sem_alloc : memref<!tpu.dma_semaphore, #tpu.memory_space<semaphore_mem>>
      tpu.enqueue_dma source(%arg6 : memref<80x128xf32, #tpu.memory_space<hbm>>) target(%arg14 : memref<80x128xf32, #tpu.memory_space<vmem>>) target_semaphore(%run_scoped3A : memref<!tpu.dma_semaphore, #tpu.memory_space<semaphore_mem>>)
      tpu.wait_dma2 semaphore(%run_scoped3A : memref<!tpu.dma_semaphore, #tpu.memory_space<semaphore_mem>>) src(%arg6 : memref<80x128xf32, #tpu.memory_space<hbm>>) dst(%arg14 : memref<80x128xf32, #tpu.memory_space<vmem>>)
      tpu.yield
    }) : () -> ()
    %scan3A = arith.constant 0 : i32
    %scan3A_3 = arith.constant 0 : i32
    %scan3A_4 = arith.constant 8 : i32
    %scan3A_5 = arith.addi %scan3A_3, %scan3A_4 : i32
    %scan3A_6 = arith.constant 1 : i32
    %scan3A_7 = scf.for %scan3A_35 = %scan3A_3 to %scan3A_5 step %scan3A_6 iter_args(%scan3A_36 = %scan3A) -> (i32)  : i32 {
      %mul3A_37 = arith.constant 80 : i32
      %mul3A_38 = arith.muli %scan3A_35, %mul3A_37 : i32
      %add3A = arith.addi %mul3A_0, %mul3A_38 : i32
      "tpu.region"() ({
        %run_scoped3A = tpu.sem_alloc : memref<!tpu.dma_semaphore, #tpu.memory_space<semaphore_mem>>
        %dma_start3A = arith.constant 0 : i32
        %dma_start3A_40 = tpu.memref_slice %arg17[%add3A, %dma_start3A] : memref<10240x128xf32, #tpu.memory_space<vmem_shared>> -> memref<80x128xf32, #tpu.memory_space<vmem_shared>>
        %dma_start3A_41 = arith.constant 0 : i32
        %dma_start3A_42 = tpu.memref_slice %arg17[%add3A, %dma_start3A_41] : memref<10240x128xf32, #tpu.memory_space<vmem_shared>> -> memref<80x128xf32, #tpu.memory_space<vmem_shared>>
        tpu.enqueue_dma source(%arg14 : memref<80x128xf32, #tpu.memory_space<vmem>>) target(%dma_start3A_42 : memref<80x128xf32, #tpu.memory_space<vmem_shared>>) target_semaphore(%run_scoped3A : memref<!tpu.dma_semaphore, #tpu.memory_space<semaphore_mem>>)
        %dma_wait3A = arith.constant 0 : i32
        %dma_wait3A_43 = tpu.memref_slice %arg17[%add3A, %dma_wait3A] : memref<10240x128xf32, #tpu.memory_space<vmem_shared>> -> memref<80x128xf32, #tpu.memory_space<vmem_shared>>
        %dma_wait3A_44 = arith.constant 0 : i32
        %dma_wait3A_45 = tpu.memref_slice %arg17[%add3A, %dma_wait3A_44] : memref<10240x128xf32, #tpu.memory_space<vmem_shared>> -> memref<80x128xf32, #tpu.memory_space<vmem_shared>>
        tpu.wait_dma2 semaphore(%run_scoped3A : memref<!tpu.dma_semaphore, #tpu.memory_space<semaphore_mem>>) src(%arg14 : memref<80x128xf32, #tpu.memory_space<vmem>>) dst(%dma_wait3A_45 : memref<80x128xf32, #tpu.memory_space<vmem_shared>>)
        tpu.yield
      }) : () -> ()
      %scan3A_39 = arith.constant 0 : i32
      scf.yield %scan3A_39 : i32
    }
    %scan3A_8 = arith.constant 8 : i32
    %scan3A_9 = arith.constant 0 : i32
    %scan3A_10 = arith.constant 0 : i32
    %scan3A_11 = arith.constant 640 : i32
    %scan3A_12 = arith.addi %scan3A_10, %scan3A_11 : i32
    %scan3A_13 = arith.constant 1 : i32
    %scan3A_14 = scf.for %scan3A_35 = %scan3A_10 to %scan3A_12 step %scan3A_13 iter_args(%scan3A_36 = %scan3A_9) -> (i32)  : i32 {
      %broadcast_in_dim3A_37 = arith.constant 0.000000e+00 : f32
      %broadcast_in_dim3A_38 = vector.broadcast %broadcast_in_dim3A_37 : f32 to vector<16xf32>
      %mul3A_39 = arith.constant 16 : i32
      %mul3A_40 = arith.muli %scan3A_35, %mul3A_39 : i32
      %swap3A = arith.index_cast %mul3A_40 : i32 to index
      %swap3A_41 = tpu.vector_load %arg16[%swap3A] {strides = array<i32>} : memref<10240xf32, #tpu.memory_space<vmem>>, vector<16xf32>,
      tpu.vector_store %arg16[%swap3A], %broadcast_in_dim3A_38 {strides = array<i32>} : memref<10240xf32, #tpu.memory_space<vmem>>, vector<16xf32>,
      %scan3A_42 = arith.constant 0 : i32
      scf.yield %scan3A_42 : i32
    }
    %scan3A_15 = arith.constant 640 : i32
    %barrier3A = arith.constant 0 : index
    tpu.barrier barrier_id(%barrier3A)
    %broadcast_in_dim3A = arith.constant 1.000000e+00 : f32
    %broadcast_in_dim3A_16 = vector.broadcast %broadcast_in_dim3A : f32 to vector<16xf32>
    %eq3A = arith.constant 0 : i32
    %eq3A_17 = arith.cmpi eq, %arg0, %eq3A : i32
    %convert_element_type3A = arith.extui %eq3A_17 : i1 to i32
    %cond3A = arith.constant 0 : i32
    %cond3A_18 = arith.cmpi ne, %convert_element_type3A, %cond3A : i32
    scf.if %cond3A_18 {
      %min3A = arith.constant 0 : i32
      %min3A_35 = arith.constant 124 : i32
      %min3A_36 = arith.minsi %min3A, %min3A_35 : i32
      %mul3A_37 = arith.constant 80 : i32
      %mul3A_38 = arith.muli %min3A_36, %mul3A_37 : i32
      %add3A = arith.addi %mul3A_2, %mul3A_38 : i32
      %dma_start3A = tpu.memref_slice %arg4[%add3A] : memref<160000xi32, #tpu.memory_space<hbm>> -> memref<80xi32, #tpu.memory_space<hbm>>
      %dma_start3A_39 = tpu.memref_slice %arg4[%add3A] : memref<160000xi32, #tpu.memory_space<hbm>> -> memref<80xi32, #tpu.memory_space<hbm>>
      tpu.enqueue_dma source(%dma_start3A_39 : memref<80xi32, #tpu.memory_space<hbm>>) target(%arg10 : memref<80xi32, #tpu.memory_space<vmem>>) target_semaphore(%arg18 : memref<!tpu.dma_semaphore, #tpu.memory_space<semaphore_mem>>)
      %dma_start3A_40 = tpu.memref_slice %arg5[%add3A] : memref<160000xi32, #tpu.memory_space<hbm>> -> memref<80xi32, #tpu.memory_space<hbm>>
      %dma_start3A_41 = tpu.memref_slice %arg5[%add3A] : memref<160000xi32, #tpu.memory_space<hbm>> -> memref<80xi32, #tpu.memory_space<hbm>>
      tpu.enqueue_dma source(%dma_start3A_41 : memref<80xi32, #tpu.memory_space<hbm>>) target(%arg12 : memref<80xi32, #tpu.memory_space<vmem>>) target_semaphore(%arg20 : memref<!tpu.dma_semaphore, #tpu.memory_space<semaphore_mem>>)
      %dma_wait3A = arith.constant 0 : i32
      %dma_wait3A_42 = tpu.memref_slice %arg4[%dma_wait3A] : memref<160000xi32, #tpu.memory_space<hbm>> -> memref<80xi32, #tpu.memory_space<hbm>>
      %dma_wait3A_43 = arith.constant 0 : i32
      %dma_wait3A_44 = tpu.memref_slice %arg4[%dma_wait3A_43] : memref<160000xi32, #tpu.memory_space<hbm>> -> memref<80xi32, #tpu.memory_space<hbm>>
      tpu.wait_dma2 semaphore(%arg18 : memref<!tpu.dma_semaphore, #tpu.memory_space<semaphore_mem>>) src(%dma_wait3A_44 : memref<80xi32, #tpu.memory_space<hbm>>) dst(%arg10 : memref<80xi32, #tpu.memory_space<vmem>>)
      %dma_wait3A_45 = arith.constant 0 : i32
      %dma_wait3A_46 = tpu.memref_slice %arg5[%dma_wait3A_45] : memref<160000xi32, #tpu.memory_space<hbm>> -> memref<80xi32, #tpu.memory_space<hbm>>
      %dma_wait3A_47 = arith.constant 0 : i32
      %dma_wait3A_48 = tpu.memref_slice %arg5[%dma_wait3A_47] : memref<160000xi32, #tpu.memory_space<hbm>> -> memref<80xi32, #tpu.memory_space<hbm>>
      tpu.wait_dma2 semaphore(%arg20 : memref<!tpu.dma_semaphore, #tpu.memory_space<semaphore_mem>>) src(%dma_wait3A_48 : memref<80xi32, #tpu.memory_space<hbm>>) dst(%arg12 : memref<80xi32, #tpu.memory_space<vmem>>)
      %dma_start3A_49 = arith.constant 0 : i32
      %dma_start3A_50 = arith.constant 0 : i32
      %dma_start3A_51 = tpu.memref_slice %arg2[%dma_start3A_49, %dma_start3A_50] : memref<10240x128xf32, #tpu.memory_space<hbm>> -> memref<10240x128xf32, #tpu.memory_space<hbm>>
      tpu.enqueue_indirect_dma source(%dma_start3A_51 : memref<10240x128xf32, #tpu.memory_space<hbm>>) target(%arg14 : memref<80x128xf32, #tpu.memory_space<vmem>>) offsets(%arg10 : memref<80xi32, #tpu.memory_space<vmem>>) semaphore(%arg22 : memref<!tpu.dma_semaphore, #tpu.memory_space<semaphore_mem>>)
      %min3A_52 = arith.constant 1 : i32
      %min3A_53 = arith.constant 124 : i32
      %min3A_54 = arith.minsi %min3A_52, %min3A_53 : i32
      %mul3A_55 = arith.constant 80 : i32
      %mul3A_56 = arith.muli %min3A_54, %mul3A_55 : i32
      %add3A_57 = arith.addi %mul3A_2, %mul3A_56 : i32
      %dma_start3A_58 = tpu.memref_slice %arg4[%add3A_57] : memref<160000xi32, #tpu.memory_space<hbm>> -> memref<80xi32, #tpu.memory_space<hbm>>
      %dma_start3A_59 = tpu.memref_slice %arg4[%add3A_57] : memref<160000xi32, #tpu.memory_space<hbm>> -> memref<80xi32, #tpu.memory_space<hbm>>
      tpu.enqueue_dma source(%dma_start3A_59 : memref<80xi32, #tpu.memory_space<hbm>>) target(%arg11 : memref<80xi32, #tpu.memory_space<vmem>>) target_semaphore(%arg19 : memref<!tpu.dma_semaphore, #tpu.memory_space<semaphore_mem>>)
      %dma_start3A_60 = tpu.memref_slice %arg5[%add3A_57] : memref<160000xi32, #tpu.memory_space<hbm>> -> memref<80xi32, #tpu.memory_space<hbm>>
      %dma_start3A_61 = tpu.memref_slice %arg5[%add3A_57] : memref<160000xi32, #tpu.memory_space<hbm>> -> memref<80xi32, #tpu.memory_space<hbm>>
      tpu.enqueue_dma source(%dma_start3A_61 : memref<80xi32, #tpu.memory_space<hbm>>) target(%arg13 : memref<80xi32, #tpu.memory_space<vmem>>) target_semaphore(%arg21 : memref<!tpu.dma_semaphore, #tpu.memory_space<semaphore_mem>>)
      %scan3A_62 = arith.constant 0 : i32
      %scan3A_63 = arith.constant 0 : i32
      %scan3A_64 = arith.constant 62 : i32
      %scan3A_65 = arith.addi %scan3A_63, %scan3A_64 : i32
      %scan3A_66 = arith.constant 1 : i32
      %scan3A_67 = scf.for %scan3A_92 = %scan3A_63 to %scan3A_65 step %scan3A_66 iter_args(%scan3A_93 = %scan3A_62) -> (i32)  : i32 {
        %mul3A_94 = arith.constant 2 : i32
        %mul3A_95 = arith.muli %mul3A_94, %scan3A_92 : i32
        %add3A_96 = arith.constant 0 : i32
        %add3A_97 = arith.addi %add3A_96, %mul3A_95 : i32
        %dma_wait3A_98 = arith.constant 0 : i32
        %dma_wait3A_99 = arith.constant 0 : i32
        %dma_wait3A_100 = tpu.memref_slice %arg2[%dma_wait3A_98, %dma_wait3A_99] : memref<10240x128xf32, #tpu.memory_space<hbm>> -> memref<80x128xf32, #tpu.memory_space<hbm>>
        %dma_wait3A_101 = arith.constant 0 : i32
        %dma_wait3A_102 = arith.constant 0 : i32
        %dma_wait3A_103 = tpu.memref_slice %arg2[%dma_wait3A_101, %dma_wait3A_102] : memref<10240x128xf32, #tpu.memory_space<hbm>> -> memref<80x128xf32, #tpu.memory_space<hbm>>
        tpu.wait_dma2 semaphore(%arg22 : memref<!tpu.dma_semaphore, #tpu.memory_space<semaphore_mem>>) src(%dma_wait3A_103 : memref<80x128xf32, #tpu.memory_space<hbm>>) dst(%arg14 : memref<80x128xf32, #tpu.memory_space<vmem>>)
        %dma_wait3A_104 = arith.constant 0 : i32
        %dma_wait3A_105 = tpu.memref_slice %arg4[%dma_wait3A_104] : memref<160000xi32, #tpu.memory_space<hbm>> -> memref<80xi32, #tpu.memory_space<hbm>>
        %dma_wait3A_106 = arith.constant 0 : i32
        %dma_wait3A_107 = tpu.memref_slice %arg4[%dma_wait3A_106] : memref<160000xi32, #tpu.memory_space<hbm>> -> memref<80xi32, #tpu.memory_space<hbm>>
        tpu.wait_dma2 semaphore(%arg19 : memref<!tpu.dma_semaphore, #tpu.memory_space<semaphore_mem>>) src(%dma_wait3A_107 : memref<80xi32, #tpu.memory_space<hbm>>) dst(%arg11 : memref<80xi32, #tpu.memory_space<vmem>>)
        %dma_wait3A_108 = arith.constant 0 : i32
        %dma_wait3A_109 = tpu.memref_slice %arg5[%dma_wait3A_108] : memref<160000xi32, #tpu.memory_space<hbm>> -> memref<80xi32, #tpu.memory_space<hbm>>
        %dma_wait3A_110 = arith.constant 0 : i32
        %dma_wait3A_111 = tpu.memref_slice %arg5[%dma_wait3A_110] : memref<160000xi32, #tpu.memory_space<hbm>> -> memref<80xi32, #tpu.memory_space<hbm>>
        tpu.wait_dma2 semaphore(%arg21 : memref<!tpu.dma_semaphore, #tpu.memory_space<semaphore_mem>>) src(%dma_wait3A_111 : memref<80xi32, #tpu.memory_space<hbm>>) dst(%arg13 : memref<80xi32, #tpu.memory_space<vmem>>)
        %dma_start3A_112 = arith.constant 0 : i32
        %dma_start3A_113 = arith.constant 0 : i32
        %dma_start3A_114 = tpu.memref_slice %arg2[%dma_start3A_112, %dma_start3A_113] : memref<10240x128xf32, #tpu.memory_space<hbm>> -> memref<10240x128xf32, #tpu.memory_space<hbm>>
        tpu.enqueue_indirect_dma source(%dma_start3A_114 : memref<10240x128xf32, #tpu.memory_space<hbm>>) target(%arg15 : memref<80x128xf32, #tpu.memory_space<vmem>>) offsets(%arg11 : memref<80xi32, #tpu.memory_space<vmem>>) semaphore(%arg23 : memref<!tpu.dma_semaphore, #tpu.memory_space<semaphore_mem>>)
        "tpu.region"() ({
          %run_scoped3A = tpu.sem_alloc : memref<!tpu.dma_semaphore, #tpu.memory_space<semaphore_mem>>
          %dma_start3A_175 = arith.constant 0 : i32
          %dma_start3A_176 = arith.constant 0 : i32
          %dma_start3A_177 = tpu.memref_slice %arg17[%dma_start3A_175, %dma_start3A_176] : memref<10240x128xf32, #tpu.memory_space<vmem_shared>> -> memref<10240x128xf32, #tpu.memory_space<vmem_shared>>
          tpu.enqueue_indirect_dma source(%arg14 : memref<80x128xf32, #tpu.memory_space<vmem>>) target(%dma_start3A_177 : memref<10240x128xf32, #tpu.memory_space<vmem_shared>>) offsets(%arg12 : memref<80xi32, #tpu.memory_space<vmem>>) semaphore(%run_scoped3A : memref<!tpu.dma_semaphore, #tpu.memory_space<semaphore_mem>>) {add = true}
          %dma_wait3A_178 = arith.constant 0 : i32
          %dma_wait3A_179 = arith.constant 0 : i32
          %dma_wait3A_180 = tpu.memref_slice %arg17[%dma_wait3A_178, %dma_wait3A_179] : memref<10240x128xf32, #tpu.memory_space<vmem_shared>> -> memref<10240x128xf32, #tpu.memory_space<vmem_shared>>
          tpu.wait_indirect_dma semaphore(%run_scoped3A : memref<!tpu.dma_semaphore, #tpu.memory_space<semaphore_mem>>) src(%arg14 : memref<80x128xf32, #tpu.memory_space<vmem>>) dst(%dma_wait3A_180 : memref<10240x128xf32, #tpu.memory_space<vmem_shared>>)
          tpu.yield
        }) : () -> ()
        %get3A_115 = arith.constant 0 : index
        %get3A_116 = tpu.vector_load %arg12[%get3A_115] {strides = array<i32>} : memref<80xi32, #tpu.memory_space<vmem>>, vector<16xi32>,
        tpu.vector_store_idx %arg16[%get3A_116], %broadcast_in_dim3A_16 {add = true} : memref<10240xf32, #tpu.memory_space<vmem>>[vector<16xi32>], vector<16xf32>,
        %get3A_117 = arith.constant 16 : index
        %get3A_118 = tpu.vector_load %arg12[%get3A_117] {strides = array<i32>} : memref<80xi32, #tpu.memory_space<vmem>>, vector<16xi32>,
        tpu.vector_store_idx %arg16[%get3A_118], %broadcast_in_dim3A_16 {add = true} : memref<10240xf32, #tpu.memory_space<vmem>>[vector<16xi32>], vector<16xf32>,
        %get3A_119 = arith.constant 32 : index
        %get3A_120 = tpu.vector_load %arg12[%get3A_119] {strides = array<i32>} : memref<80xi32, #tpu.memory_space<vmem>>, vector<16xi32>,
        tpu.vector_store_idx %arg16[%get3A_120], %broadcast_in_dim3A_16 {add = true} : memref<10240xf32, #tpu.memory_space<vmem>>[vector<16xi32>], vector<16xf32>,
        %get3A_121 = arith.constant 48 : index
        %get3A_122 = tpu.vector_load %arg12[%get3A_121] {strides = array<i32>} : memref<80xi32, #tpu.memory_space<vmem>>, vector<16xi32>,
        tpu.vector_store_idx %arg16[%get3A_122], %broadcast_in_dim3A_16 {add = true} : memref<10240xf32, #tpu.memory_space<vmem>>[vector<16xi32>], vector<16xf32>,
        %get3A_123 = arith.constant 64 : index
        %get3A_124 = tpu.vector_load %arg12[%get3A_123] {strides = array<i32>} : memref<80xi32, #tpu.memory_space<vmem>>, vector<16xi32>,
        tpu.vector_store_idx %arg16[%get3A_124], %broadcast_in_dim3A_16 {add = true} : memref<10240xf32, #tpu.memory_space<vmem>>[vector<16xi32>], vector<16xf32>,
        %add3A_125 = arith.constant 2 : i32
        %add3A_126 = arith.addi %add3A_97, %add3A_125 : i32
        %min3A_127 = arith.constant 124 : i32
        %min3A_128 = arith.minsi %add3A_126, %min3A_127 : i32
        %mul3A_129 = arith.constant 80 : i32
        %mul3A_130 = arith.muli %min3A_128, %mul3A_129 : i32
        %add3A_131 = arith.addi %mul3A_2, %mul3A_130 : i32
        %dma_start3A_132 = tpu.memref_slice %arg4[%add3A_131] : memref<160000xi32, #tpu.memory_space<hbm>> -> memref<80xi32, #tpu.memory_space<hbm>>
        %dma_start3A_133 = tpu.memref_slice %arg4[%add3A_131] : memref<160000xi32, #tpu.memory_space<hbm>> -> memref<80xi32, #tpu.memory_space<hbm>>
        tpu.enqueue_dma source(%dma_start3A_133 : memref<80xi32, #tpu.memory_space<hbm>>) target(%arg10 : memref<80xi32, #tpu.memory_space<vmem>>) target_semaphore(%arg18 : memref<!tpu.dma_semaphore, #tpu.memory_space<semaphore_mem>>)
        %dma_start3A_134 = tpu.memref_slice %arg5[%add3A_131] : memref<160000xi32, #tpu.memory_space<hbm>> -> memref<80xi32, #tpu.memory_space<hbm>>
        %dma_start3A_135 = tpu.memref_slice %arg5[%add3A_131] : memref<160000xi32, #tpu.memory_space<hbm>> -> memref<80xi32, #tpu.memory_space<hbm>>
        tpu.enqueue_dma source(%dma_start3A_135 : memref<80xi32, #tpu.memory_space<hbm>>) target(%arg12 : memref<80xi32, #tpu.memory_space<vmem>>) target_semaphore(%arg20 : memref<!tpu.dma_semaphore, #tpu.memory_space<semaphore_mem>>)
        %dma_wait3A_136 = arith.constant 0 : i32
        %dma_wait3A_137 = arith.constant 0 : i32
        %dma_wait3A_138 = tpu.memref_slice %arg2[%dma_wait3A_136, %dma_wait3A_137] : memref<10240x128xf32, #tpu.memory_space<hbm>> -> memref<80x128xf32, #tpu.memory_space<hbm>>
        %dma_wait3A_139 = arith.constant 0 : i32
        %dma_wait3A_140 = arith.constant 0 : i32
        %dma_wait3A_141 = tpu.memref_slice %arg2[%dma_wait3A_139, %dma_wait3A_140] : memref<10240x128xf32, #tpu.memory_space<hbm>> -> memref<80x128xf32, #tpu.memory_space<hbm>>
        tpu.wait_dma2 semaphore(%arg23 : memref<!tpu.dma_semaphore, #tpu.memory_space<semaphore_mem>>) src(%dma_wait3A_141 : memref<80x128xf32, #tpu.memory_space<hbm>>) dst(%arg15 : memref<80x128xf32, #tpu.memory_space<vmem>>)
        %dma_wait3A_142 = arith.constant 0 : i32
        %dma_wait3A_143 = tpu.memref_slice %arg4[%dma_wait3A_142] : memref<160000xi32, #tpu.memory_space<hbm>> -> memref<80xi32, #tpu.memory_space<hbm>>
        %dma_wait3A_144 = arith.constant 0 : i32
        %dma_wait3A_145 = tpu.memref_slice %arg4[%dma_wait3A_144] : memref<160000xi32, #tpu.memory_space<hbm>> -> memref<80xi32, #tpu.memory_space<hbm>>
        tpu.wait_dma2 semaphore(%arg18 : memref<!tpu.dma_semaphore, #tpu.memory_space<semaphore_mem>>) src(%dma_wait3A_145 : memref<80xi32, #tpu.memory_space<hbm>>) dst(%arg10 : memref<80xi32, #tpu.memory_space<vmem>>)
        %dma_wait3A_146 = arith.constant 0 : i32
        %dma_wait3A_147 = tpu.memref_slice %arg5[%dma_wait3A_146] : memref<160000xi32, #tpu.memory_space<hbm>> -> memref<80xi32, #tpu.memory_space<hbm>>
        %dma_wait3A_148 = arith.constant 0 : i32
        %dma_wait3A_149 = tpu.memref_slice %arg5[%dma_wait3A_148] : memref<160000xi32, #tpu.memory_space<hbm>> -> memref<80xi32, #tpu.memory_space<hbm>>
        tpu.wait_dma2 semaphore(%arg20 : memref<!tpu.dma_semaphore, #tpu.memory_space<semaphore_mem>>) src(%dma_wait3A_149 : memref<80xi32, #tpu.memory_space<hbm>>) dst(%arg12 : memref<80xi32, #tpu.memory_space<vmem>>)
        %dma_start3A_150 = arith.constant 0 : i32
        %dma_start3A_151 = arith.constant 0 : i32
        %dma_start3A_152 = tpu.memref_slice %arg2[%dma_start3A_150, %dma_start3A_151] : memref<10240x128xf32, #tpu.memory_space<hbm>> -> memref<10240x128xf32, #tpu.memory_space<hbm>>
        tpu.enqueue_indirect_dma source(%dma_start3A_152 : memref<10240x128xf32, #tpu.memory_space<hbm>>) target(%arg14 : memref<80x128xf32, #tpu.memory_space<vmem>>) offsets(%arg10 : memref<80xi32, #tpu.memory_space<vmem>>) semaphore(%arg22 : memref<!tpu.dma_semaphore, #tpu.memory_space<semaphore_mem>>)
        "tpu.region"() ({
          %run_scoped3A = tpu.sem_alloc : memref<!tpu.dma_semaphore, #tpu.memory_space<semaphore_mem>>
          %dma_start3A_175 = arith.constant 0 : i32
          %dma_start3A_176 = arith.constant 0 : i32
          %dma_start3A_177 = tpu.memref_slice %arg17[%dma_start3A_175, %dma_start3A_176] : memref<10240x128xf32, #tpu.memory_space<vmem_shared>> -> memref<10240x128xf32, #tpu.memory_space<vmem_shared>>
          tpu.enqueue_indirect_dma source(%arg15 : memref<80x128xf32, #tpu.memory_space<vmem>>) target(%dma_start3A_177 : memref<10240x128xf32, #tpu.memory_space<vmem_shared>>) offsets(%arg13 : memref<80xi32, #tpu.memory_space<vmem>>) semaphore(%run_scoped3A : memref<!tpu.dma_semaphore, #tpu.memory_space<semaphore_mem>>) {add = true}
          %dma_wait3A_178 = arith.constant 0 : i32
          %dma_wait3A_179 = arith.constant 0 : i32
          %dma_wait3A_180 = tpu.memref_slice %arg17[%dma_wait3A_178, %dma_wait3A_179] : memref<10240x128xf32, #tpu.memory_space<vmem_shared>> -> memref<10240x128xf32, #tpu.memory_space<vmem_shared>>
          tpu.wait_indirect_dma semaphore(%run_scoped3A : memref<!tpu.dma_semaphore, #tpu.memory_space<semaphore_mem>>) src(%arg15 : memref<80x128xf32, #tpu.memory_space<vmem>>) dst(%dma_wait3A_180 : memref<10240x128xf32, #tpu.memory_space<vmem_shared>>)
          tpu.yield
        }) : () -> ()
        %get3A_153 = arith.constant 0 : index
        %get3A_154 = tpu.vector_load %arg13[%get3A_153] {strides = array<i32>} : memref<80xi32, #tpu.memory_space<vmem>>, vector<16xi32>,
        tpu.vector_store_idx %arg16[%get3A_154], %broadcast_in_dim3A_16 {add = true} : memref<10240xf32, #tpu.memory_space<vmem>>[vector<16xi32>], vector<16xf32>,
        %get3A_155 = arith.constant 16 : index
        %get3A_156 = tpu.vector_load %arg13[%get3A_155] {strides = array<i32>} : memref<80xi32, #tpu.memory_space<vmem>>, vector<16xi32>,
        tpu.vector_store_idx %arg16[%get3A_156], %broadcast_in_dim3A_16 {add = true} : memref<10240xf32, #tpu.memory_space<vmem>>[vector<16xi32>], vector<16xf32>,
        %get3A_157 = arith.constant 32 : index
        %get3A_158 = tpu.vector_load %arg13[%get3A_157] {strides = array<i32>} : memref<80xi32, #tpu.memory_space<vmem>>, vector<16xi32>,
        tpu.vector_store_idx %arg16[%get3A_158], %broadcast_in_dim3A_16 {add = true} : memref<10240xf32, #tpu.memory_space<vmem>>[vector<16xi32>], vector<16xf32>,
        %get3A_159 = arith.constant 48 : index
        %get3A_160 = tpu.vector_load %arg13[%get3A_159] {strides = array<i32>} : memref<80xi32, #tpu.memory_space<vmem>>, vector<16xi32>,
        tpu.vector_store_idx %arg16[%get3A_160], %broadcast_in_dim3A_16 {add = true} : memref<10240xf32, #tpu.memory_space<vmem>>[vector<16xi32>], vector<16xf32>,
        %get3A_161 = arith.constant 64 : index
        %get3A_162 = tpu.vector_load %arg13[%get3A_161] {strides = array<i32>} : memref<80xi32, #tpu.memory_space<vmem>>, vector<16xi32>,
        tpu.vector_store_idx %arg16[%get3A_162], %broadcast_in_dim3A_16 {add = true} : memref<10240xf32, #tpu.memory_space<vmem>>[vector<16xi32>], vector<16xf32>,
        %add3A_163 = arith.constant 3 : i32
        %add3A_164 = arith.addi %add3A_97, %add3A_163 : i32
        %min3A_165 = arith.constant 124 : i32
        %min3A_166 = arith.minsi %add3A_164, %min3A_165 : i32
        %mul3A_167 = arith.constant 80 : i32
        %mul3A_168 = arith.muli %min3A_166, %mul3A_167 : i32
        %add3A_169 = arith.addi %mul3A_2, %mul3A_168 : i32
        %dma_start3A_170 = tpu.memref_slice %arg4[%add3A_169] : memref<160000xi32, #tpu.memory_space<hbm>> -> memref<80xi32, #tpu.memory_space<hbm>>
        %dma_start3A_171 = tpu.memref_slice %arg4[%add3A_169] : memref<160000xi32, #tpu.memory_space<hbm>> -> memref<80xi32, #tpu.memory_space<hbm>>
        tpu.enqueue_dma source(%dma_start3A_171 : memref<80xi32, #tpu.memory_space<hbm>>) target(%arg11 : memref<80xi32, #tpu.memory_space<vmem>>) target_semaphore(%arg19 : memref<!tpu.dma_semaphore, #tpu.memory_space<semaphore_mem>>)
        %dma_start3A_172 = tpu.memref_slice %arg5[%add3A_169] : memref<160000xi32, #tpu.memory_space<hbm>> -> memref<80xi32, #tpu.memory_space<hbm>>
        %dma_start3A_173 = tpu.memref_slice %arg5[%add3A_169] : memref<160000xi32, #tpu.memory_space<hbm>> -> memref<80xi32, #tpu.memory_space<hbm>>
        tpu.enqueue_dma source(%dma_start3A_173 : memref<80xi32, #tpu.memory_space<hbm>>) target(%arg13 : memref<80xi32, #tpu.memory_space<vmem>>) target_semaphore(%arg21 : memref<!tpu.dma_semaphore, #tpu.memory_space<semaphore_mem>>)
        %scan3A_174 = arith.constant 0 : i32
        scf.yield %scan3A_174 : i32
      }
      %scan3A_68 = arith.constant 62 : i32
      %dma_wait3A_69 = arith.constant 0 : i32
      %dma_wait3A_70 = arith.constant 0 : i32
      %dma_wait3A_71 = tpu.memref_slice %arg2[%dma_wait3A_69, %dma_wait3A_70] : memref<10240x128xf32, #tpu.memory_space<hbm>> -> memref<80x128xf32, #tpu.memory_space<hbm>>
      %dma_wait3A_72 = arith.constant 0 : i32
      %dma_wait3A_73 = arith.constant 0 : i32
      %dma_wait3A_74 = tpu.memref_slice %arg2[%dma_wait3A_72, %dma_wait3A_73] : memref<10240x128xf32, #tpu.memory_space<hbm>> -> memref<80x128xf32, #tpu.memory_space<hbm>>
      tpu.wait_dma2 semaphore(%arg22 : memref<!tpu.dma_semaphore, #tpu.memory_space<semaphore_mem>>) src(%dma_wait3A_74 : memref<80x128xf32, #tpu.memory_space<hbm>>) dst(%arg14 : memref<80x128xf32, #tpu.memory_space<vmem>>)
      "tpu.region"() ({
        %run_scoped3A = tpu.sem_alloc : memref<!tpu.dma_semaphore, #tpu.memory_space<semaphore_mem>>
        %dma_start3A_92 = arith.constant 0 : i32
        %dma_start3A_93 = arith.constant 0 : i32
        %dma_start3A_94 = tpu.memref_slice %arg17[%dma_start3A_92, %dma_start3A_93] : memref<10240x128xf32, #tpu.memory_space<vmem_shared>> -> memref<10240x128xf32, #tpu.memory_space<vmem_shared>>
        tpu.enqueue_indirect_dma source(%arg14 : memref<80x128xf32, #tpu.memory_space<vmem>>) target(%dma_start3A_94 : memref<10240x128xf32, #tpu.memory_space<vmem_shared>>) offsets(%arg12 : memref<80xi32, #tpu.memory_space<vmem>>) semaphore(%run_scoped3A : memref<!tpu.dma_semaphore, #tpu.memory_space<semaphore_mem>>) {add = true}
        %dma_wait3A_95 = arith.constant 0 : i32
        %dma_wait3A_96 = arith.constant 0 : i32
        %dma_wait3A_97 = tpu.memref_slice %arg17[%dma_wait3A_95, %dma_wait3A_96] : memref<10240x128xf32, #tpu.memory_space<vmem_shared>> -> memref<10240x128xf32, #tpu.memory_space<vmem_shared>>
        tpu.wait_indirect_dma semaphore(%run_scoped3A : memref<!tpu.dma_semaphore, #tpu.memory_space<semaphore_mem>>) src(%arg14 : memref<80x128xf32, #tpu.memory_space<vmem>>) dst(%dma_wait3A_97 : memref<10240x128xf32, #tpu.memory_space<vmem_shared>>)
        tpu.yield
      }) : () -> ()
      %get3A = arith.constant 0 : index
      %get3A_75 = tpu.vector_load %arg12[%get3A] {strides = array<i32>} : memref<80xi32, #tpu.memory_space<vmem>>, vector<16xi32>,
      tpu.vector_store_idx %arg16[%get3A_75], %broadcast_in_dim3A_16 {add = true} : memref<10240xf32, #tpu.memory_space<vmem>>[vector<16xi32>], vector<16xf32>,
      %get3A_76 = arith.constant 16 : index
      %get3A_77 = tpu.vector_load %arg12[%get3A_76] {strides = array<i32>} : memref<80xi32, #tpu.memory_space<vmem>>, vector<16xi32>,
      tpu.vector_store_idx %arg16[%get3A_77], %broadcast_in_dim3A_16 {add = true} : memref<10240xf32, #tpu.memory_space<vmem>>[vector<16xi32>], vector<16xf32>,
      %get3A_78 = arith.constant 32 : index
      %get3A_79 = tpu.vector_load %arg12[%get3A_78] {strides = array<i32>} : memref<80xi32, #tpu.memory_space<vmem>>, vector<16xi32>,
      tpu.vector_store_idx %arg16[%get3A_79], %broadcast_in_dim3A_16 {add = true} : memref<10240xf32, #tpu.memory_space<vmem>>[vector<16xi32>], vector<16xf32>,
      %get3A_80 = arith.constant 48 : index
      %get3A_81 = tpu.vector_load %arg12[%get3A_80] {strides = array<i32>} : memref<80xi32, #tpu.memory_space<vmem>>, vector<16xi32>,
      tpu.vector_store_idx %arg16[%get3A_81], %broadcast_in_dim3A_16 {add = true} : memref<10240xf32, #tpu.memory_space<vmem>>[vector<16xi32>], vector<16xf32>,
      %get3A_82 = arith.constant 64 : index
      %get3A_83 = tpu.vector_load %arg12[%get3A_82] {strides = array<i32>} : memref<80xi32, #tpu.memory_space<vmem>>, vector<16xi32>,
      tpu.vector_store_idx %arg16[%get3A_83], %broadcast_in_dim3A_16 {add = true} : memref<10240xf32, #tpu.memory_space<vmem>>[vector<16xi32>], vector<16xf32>,
      %dma_wait3A_84 = arith.constant 0 : i32
      %dma_wait3A_85 = tpu.memref_slice %arg4[%dma_wait3A_84] : memref<160000xi32, #tpu.memory_space<hbm>> -> memref<80xi32, #tpu.memory_space<hbm>>
      %dma_wait3A_86 = arith.constant 0 : i32
      %dma_wait3A_87 = tpu.memref_slice %arg4[%dma_wait3A_86] : memref<160000xi32, #tpu.memory_space<hbm>> -> memref<80xi32, #tpu.memory_space<hbm>>
      tpu.wait_dma2 semaphore(%arg19 : memref<!tpu.dma_semaphore, #tpu.memory_space<semaphore_mem>>) src(%dma_wait3A_87 : memref<80xi32, #tpu.memory_space<hbm>>) dst(%arg11 : memref<80xi32, #tpu.memory_space<vmem>>)
      %dma_wait3A_88 = arith.constant 0 : i32
      %dma_wait3A_89 = tpu.memref_slice %arg5[%dma_wait3A_88] : memref<160000xi32, #tpu.memory_space<hbm>> -> memref<80xi32, #tpu.memory_space<hbm>>
      %dma_wait3A_90 = arith.constant 0 : i32
      %dma_wait3A_91 = tpu.memref_slice %arg5[%dma_wait3A_90] : memref<160000xi32, #tpu.memory_space<hbm>> -> memref<80xi32, #tpu.memory_space<hbm>>
      tpu.wait_dma2 semaphore(%arg21 : memref<!tpu.dma_semaphore, #tpu.memory_space<semaphore_mem>>) src(%dma_wait3A_91 : memref<80xi32, #tpu.memory_space<hbm>>) dst(%arg13 : memref<80xi32, #tpu.memory_space<vmem>>)
    } else {
    }
    %eq3A_19 = arith.constant 1 : i32
    %eq3A_20 = arith.cmpi eq, %arg0, %eq3A_19 : i32
    %convert_element_type3A_21 = arith.extui %eq3A_20 : i1 to i32
    %cond3A_22 = arith.constant 0 : i32
    %cond3A_23 = arith.cmpi ne, %convert_element_type3A_21, %cond3A_22 : i32
    scf.if %cond3A_23 {
      %min3A = arith.constant 0 : i32
      %min3A_35 = arith.constant 124 : i32
      %min3A_36 = arith.minsi %min3A, %min3A_35 : i32
      %mul3A_37 = arith.constant 80 : i32
      %mul3A_38 = arith.muli %min3A_36, %mul3A_37 : i32
      %add3A = arith.addi %mul3A_2, %mul3A_38 : i32
      %dma_start3A = tpu.memref_slice %arg4[%add3A] : memref<160000xi32, #tpu.memory_space<hbm>> -> memref<80xi32, #tpu.memory_space<hbm>>
      %dma_start3A_39 = tpu.memref_slice %arg4[%add3A] : memref<160000xi32, #tpu.memory_space<hbm>> -> memref<80xi32, #tpu.memory_space<hbm>>
      tpu.enqueue_dma source(%dma_start3A_39 : memref<80xi32, #tpu.memory_space<hbm>>) target(%arg10 : memref<80xi32, #tpu.memory_space<vmem>>) target_semaphore(%arg18 : memref<!tpu.dma_semaphore, #tpu.memory_space<semaphore_mem>>)
      %dma_start3A_40 = tpu.memref_slice %arg5[%add3A] : memref<160000xi32, #tpu.memory_space<hbm>> -> memref<80xi32, #tpu.memory_space<hbm>>
      %dma_start3A_41 = tpu.memref_slice %arg5[%add3A] : memref<160000xi32, #tpu.memory_space<hbm>> -> memref<80xi32, #tpu.memory_space<hbm>>
      tpu.enqueue_dma source(%dma_start3A_41 : memref<80xi32, #tpu.memory_space<hbm>>) target(%arg12 : memref<80xi32, #tpu.memory_space<vmem>>) target_semaphore(%arg20 : memref<!tpu.dma_semaphore, #tpu.memory_space<semaphore_mem>>)
      %dma_wait3A = arith.constant 0 : i32
      %dma_wait3A_42 = tpu.memref_slice %arg4[%dma_wait3A] : memref<160000xi32, #tpu.memory_space<hbm>> -> memref<80xi32, #tpu.memory_space<hbm>>
      %dma_wait3A_43 = arith.constant 0 : i32
      %dma_wait3A_44 = tpu.memref_slice %arg4[%dma_wait3A_43] : memref<160000xi32, #tpu.memory_space<hbm>> -> memref<80xi32, #tpu.memory_space<hbm>>
      tpu.wait_dma2 semaphore(%arg18 : memref<!tpu.dma_semaphore, #tpu.memory_space<semaphore_mem>>) src(%dma_wait3A_44 : memref<80xi32, #tpu.memory_space<hbm>>) dst(%arg10 : memref<80xi32, #tpu.memory_space<vmem>>)
      %dma_wait3A_45 = arith.constant 0 : i32
      %dma_wait3A_46 = tpu.memref_slice %arg5[%dma_wait3A_45] : memref<160000xi32, #tpu.memory_space<hbm>> -> memref<80xi32, #tpu.memory_space<hbm>>
      %dma_wait3A_47 = arith.constant 0 : i32
      %dma_wait3A_48 = tpu.memref_slice %arg5[%dma_wait3A_47] : memref<160000xi32, #tpu.memory_space<hbm>> -> memref<80xi32, #tpu.memory_space<hbm>>
      tpu.wait_dma2 semaphore(%arg20 : memref<!tpu.dma_semaphore, #tpu.memory_space<semaphore_mem>>) src(%dma_wait3A_48 : memref<80xi32, #tpu.memory_space<hbm>>) dst(%arg12 : memref<80xi32, #tpu.memory_space<vmem>>)
      %dma_start3A_49 = arith.constant 0 : i32
      %dma_start3A_50 = arith.constant 0 : i32
      %dma_start3A_51 = tpu.memref_slice %arg3[%dma_start3A_49, %dma_start3A_50] : memref<10240x128xf32, #tpu.memory_space<hbm>> -> memref<10240x128xf32, #tpu.memory_space<hbm>>
      tpu.enqueue_indirect_dma source(%dma_start3A_51 : memref<10240x128xf32, #tpu.memory_space<hbm>>) target(%arg14 : memref<80x128xf32, #tpu.memory_space<vmem>>) offsets(%arg10 : memref<80xi32, #tpu.memory_space<vmem>>) semaphore(%arg22 : memref<!tpu.dma_semaphore, #tpu.memory_space<semaphore_mem>>)
      %min3A_52 = arith.constant 1 : i32
      %min3A_53 = arith.constant 124 : i32
      %min3A_54 = arith.minsi %min3A_52, %min3A_53 : i32
      %mul3A_55 = arith.constant 80 : i32
      %mul3A_56 = arith.muli %min3A_54, %mul3A_55 : i32
      %add3A_57 = arith.addi %mul3A_2, %mul3A_56 : i32
      %dma_start3A_58 = tpu.memref_slice %arg4[%add3A_57] : memref<160000xi32, #tpu.memory_space<hbm>> -> memref<80xi32, #tpu.memory_space<hbm>>
      %dma_start3A_59 = tpu.memref_slice %arg4[%add3A_57] : memref<160000xi32, #tpu.memory_space<hbm>> -> memref<80xi32, #tpu.memory_space<hbm>>
      tpu.enqueue_dma source(%dma_start3A_59 : memref<80xi32, #tpu.memory_space<hbm>>) target(%arg11 : memref<80xi32, #tpu.memory_space<vmem>>) target_semaphore(%arg19 : memref<!tpu.dma_semaphore, #tpu.memory_space<semaphore_mem>>)
      %dma_start3A_60 = tpu.memref_slice %arg5[%add3A_57] : memref<160000xi32, #tpu.memory_space<hbm>> -> memref<80xi32, #tpu.memory_space<hbm>>
      %dma_start3A_61 = tpu.memref_slice %arg5[%add3A_57] : memref<160000xi32, #tpu.memory_space<hbm>> -> memref<80xi32, #tpu.memory_space<hbm>>
      tpu.enqueue_dma source(%dma_start3A_61 : memref<80xi32, #tpu.memory_space<hbm>>) target(%arg13 : memref<80xi32, #tpu.memory_space<vmem>>) target_semaphore(%arg21 : memref<!tpu.dma_semaphore, #tpu.memory_space<semaphore_mem>>)
      %scan3A_62 = arith.constant 0 : i32
      %scan3A_63 = arith.constant 0 : i32
      %scan3A_64 = arith.constant 62 : i32
      %scan3A_65 = arith.addi %scan3A_63, %scan3A_64 : i32
      %scan3A_66 = arith.constant 1 : i32
      %scan3A_67 = scf.for %scan3A_83 = %scan3A_63 to %scan3A_65 step %scan3A_66 iter_args(%scan3A_84 = %scan3A_62) -> (i32)  : i32 {
        %mul3A_85 = arith.constant 2 : i32
        %mul3A_86 = arith.muli %mul3A_85, %scan3A_83 : i32
        %add3A_87 = arith.constant 0 : i32
        %add3A_88 = arith.addi %add3A_87, %mul3A_86 : i32
        %dma_wait3A_89 = arith.constant 0 : i32
        %dma_wait3A_90 = arith.constant 0 : i32
        %dma_wait3A_91 = tpu.memref_slice %arg3[%dma_wait3A_89, %dma_wait3A_90] : memref<10240x128xf32, #tpu.memory_space<hbm>> -> memref<80x128xf32, #tpu.memory_space<hbm>>
        %dma_wait3A_92 = arith.constant 0 : i32
        %dma_wait3A_93 = arith.constant 0 : i32
        %dma_wait3A_94 = tpu.memref_slice %arg3[%dma_wait3A_92, %dma_wait3A_93] : memref<10240x128xf32, #tpu.memory_space<hbm>> -> memref<80x128xf32, #tpu.memory_space<hbm>>
        tpu.wait_dma2 semaphore(%arg22 : memref<!tpu.dma_semaphore, #tpu.memory_space<semaphore_mem>>) src(%dma_wait3A_94 : memref<80x128xf32, #tpu.memory_space<hbm>>) dst(%arg14 : memref<80x128xf32, #tpu.memory_space<vmem>>)
        %dma_wait3A_95 = arith.constant 0 : i32
        %dma_wait3A_96 = tpu.memref_slice %arg4[%dma_wait3A_95] : memref<160000xi32, #tpu.memory_space<hbm>> -> memref<80xi32, #tpu.memory_space<hbm>>
        %dma_wait3A_97 = arith.constant 0 : i32
        %dma_wait3A_98 = tpu.memref_slice %arg4[%dma_wait3A_97] : memref<160000xi32, #tpu.memory_space<hbm>> -> memref<80xi32, #tpu.memory_space<hbm>>
        tpu.wait_dma2 semaphore(%arg19 : memref<!tpu.dma_semaphore, #tpu.memory_space<semaphore_mem>>) src(%dma_wait3A_98 : memref<80xi32, #tpu.memory_space<hbm>>) dst(%arg11 : memref<80xi32, #tpu.memory_space<vmem>>)
        %dma_wait3A_99 = arith.constant 0 : i32
        %dma_wait3A_100 = tpu.memref_slice %arg5[%dma_wait3A_99] : memref<160000xi32, #tpu.memory_space<hbm>> -> memref<80xi32, #tpu.memory_space<hbm>>
        %dma_wait3A_101 = arith.constant 0 : i32
        %dma_wait3A_102 = tpu.memref_slice %arg5[%dma_wait3A_101] : memref<160000xi32, #tpu.memory_space<hbm>> -> memref<80xi32, #tpu.memory_space<hbm>>
        tpu.wait_dma2 semaphore(%arg21 : memref<!tpu.dma_semaphore, #tpu.memory_space<semaphore_mem>>) src(%dma_wait3A_102 : memref<80xi32, #tpu.memory_space<hbm>>) dst(%arg13 : memref<80xi32, #tpu.memory_space<vmem>>)
        %dma_start3A_103 = arith.constant 0 : i32
        %dma_start3A_104 = arith.constant 0 : i32
        %dma_start3A_105 = tpu.memref_slice %arg3[%dma_start3A_103, %dma_start3A_104] : memref<10240x128xf32, #tpu.memory_space<hbm>> -> memref<10240x128xf32, #tpu.memory_space<hbm>>
        tpu.enqueue_indirect_dma source(%dma_start3A_105 : memref<10240x128xf32, #tpu.memory_space<hbm>>) target(%arg15 : memref<80x128xf32, #tpu.memory_space<vmem>>) offsets(%arg11 : memref<80xi32, #tpu.memory_space<vmem>>) semaphore(%arg23 : memref<!tpu.dma_semaphore, #tpu.memory_space<semaphore_mem>>)
        "tpu.region"() ({
          %run_scoped3A = tpu.sem_alloc : memref<!tpu.dma_semaphore, #tpu.memory_space<semaphore_mem>>
          %dma_start3A_146 = arith.constant 0 : i32
          %dma_start3A_147 = arith.constant 0 : i32
          %dma_start3A_148 = tpu.memref_slice %arg17[%dma_start3A_146, %dma_start3A_147] : memref<10240x128xf32, #tpu.memory_space<vmem_shared>> -> memref<10240x128xf32, #tpu.memory_space<vmem_shared>>
          tpu.enqueue_indirect_dma source(%arg14 : memref<80x128xf32, #tpu.memory_space<vmem>>) target(%dma_start3A_148 : memref<10240x128xf32, #tpu.memory_space<vmem_shared>>) offsets(%arg12 : memref<80xi32, #tpu.memory_space<vmem>>) semaphore(%run_scoped3A : memref<!tpu.dma_semaphore, #tpu.memory_space<semaphore_mem>>) {add = true}
          %dma_wait3A_149 = arith.constant 0 : i32
          %dma_wait3A_150 = arith.constant 0 : i32
          %dma_wait3A_151 = tpu.memref_slice %arg17[%dma_wait3A_149, %dma_wait3A_150] : memref<10240x128xf32, #tpu.memory_space<vmem_shared>> -> memref<10240x128xf32, #tpu.memory_space<vmem_shared>>
          tpu.wait_indirect_dma semaphore(%run_scoped3A : memref<!tpu.dma_semaphore, #tpu.memory_space<semaphore_mem>>) src(%arg14 : memref<80x128xf32, #tpu.memory_space<vmem>>) dst(%dma_wait3A_151 : memref<10240x128xf32, #tpu.memory_space<vmem_shared>>)
          tpu.yield
        }) : () -> ()
        %add3A_106 = arith.constant 2 : i32
        %add3A_107 = arith.addi %add3A_88, %add3A_106 : i32
        %min3A_108 = arith.constant 124 : i32
        %min3A_109 = arith.minsi %add3A_107, %min3A_108 : i32
        %mul3A_110 = arith.constant 80 : i32
        %mul3A_111 = arith.muli %min3A_109, %mul3A_110 : i32
        %add3A_112 = arith.addi %mul3A_2, %mul3A_111 : i32
        %dma_start3A_113 = tpu.memref_slice %arg4[%add3A_112] : memref<160000xi32, #tpu.memory_space<hbm>> -> memref<80xi32, #tpu.memory_space<hbm>>
        %dma_start3A_114 = tpu.memref_slice %arg4[%add3A_112] : memref<160000xi32, #tpu.memory_space<hbm>> -> memref<80xi32, #tpu.memory_space<hbm>>
        tpu.enqueue_dma source(%dma_start3A_114 : memref<80xi32, #tpu.memory_space<hbm>>) target(%arg10 : memref<80xi32, #tpu.memory_space<vmem>>) target_semaphore(%arg18 : memref<!tpu.dma_semaphore, #tpu.memory_space<semaphore_mem>>)
        %dma_start3A_115 = tpu.memref_slice %arg5[%add3A_112] : memref<160000xi32, #tpu.memory_space<hbm>> -> memref<80xi32, #tpu.memory_space<hbm>>
        %dma_start3A_116 = tpu.memref_slice %arg5[%add3A_112] : memref<160000xi32, #tpu.memory_space<hbm>> -> memref<80xi32, #tpu.memory_space<hbm>>
        tpu.enqueue_dma source(%dma_start3A_116 : memref<80xi32, #tpu.memory_space<hbm>>) target(%arg12 : memref<80xi32, #tpu.memory_space<vmem>>) target_semaphore(%arg20 : memref<!tpu.dma_semaphore, #tpu.memory_space<semaphore_mem>>)
        %dma_wait3A_117 = arith.constant 0 : i32
        %dma_wait3A_118 = arith.constant 0 : i32
        %dma_wait3A_119 = tpu.memref_slice %arg3[%dma_wait3A_117, %dma_wait3A_118] : memref<10240x128xf32, #tpu.memory_space<hbm>> -> memref<80x128xf32, #tpu.memory_space<hbm>>
        %dma_wait3A_120 = arith.constant 0 : i32
        %dma_wait3A_121 = arith.constant 0 : i32
        %dma_wait3A_122 = tpu.memref_slice %arg3[%dma_wait3A_120, %dma_wait3A_121] : memref<10240x128xf32, #tpu.memory_space<hbm>> -> memref<80x128xf32, #tpu.memory_space<hbm>>
        tpu.wait_dma2 semaphore(%arg23 : memref<!tpu.dma_semaphore, #tpu.memory_space<semaphore_mem>>) src(%dma_wait3A_122 : memref<80x128xf32, #tpu.memory_space<hbm>>) dst(%arg15 : memref<80x128xf32, #tpu.memory_space<vmem>>)
        %dma_wait3A_123 = arith.constant 0 : i32
        %dma_wait3A_124 = tpu.memref_slice %arg4[%dma_wait3A_123] : memref<160000xi32, #tpu.memory_space<hbm>> -> memref<80xi32, #tpu.memory_space<hbm>>
        %dma_wait3A_125 = arith.constant 0 : i32
        %dma_wait3A_126 = tpu.memref_slice %arg4[%dma_wait3A_125] : memref<160000xi32, #tpu.memory_space<hbm>> -> memref<80xi32, #tpu.memory_space<hbm>>
        tpu.wait_dma2 semaphore(%arg18 : memref<!tpu.dma_semaphore, #tpu.memory_space<semaphore_mem>>) src(%dma_wait3A_126 : memref<80xi32, #tpu.memory_space<hbm>>) dst(%arg10 : memref<80xi32, #tpu.memory_space<vmem>>)
        %dma_wait3A_127 = arith.constant 0 : i32
        %dma_wait3A_128 = tpu.memref_slice %arg5[%dma_wait3A_127] : memref<160000xi32, #tpu.memory_space<hbm>> -> memref<80xi32, #tpu.memory_space<hbm>>
        %dma_wait3A_129 = arith.constant 0 : i32
        %dma_wait3A_130 = tpu.memref_slice %arg5[%dma_wait3A_129] : memref<160000xi32, #tpu.memory_space<hbm>> -> memref<80xi32, #tpu.memory_space<hbm>>
        tpu.wait_dma2 semaphore(%arg20 : memref<!tpu.dma_semaphore, #tpu.memory_space<semaphore_mem>>) src(%dma_wait3A_130 : memref<80xi32, #tpu.memory_space<hbm>>) dst(%arg12 : memref<80xi32, #tpu.memory_space<vmem>>)
        %dma_start3A_131 = arith.constant 0 : i32
        %dma_start3A_132 = arith.constant 0 : i32
        %dma_start3A_133 = tpu.memref_slice %arg3[%dma_start3A_131, %dma_start3A_132] : memref<10240x128xf32, #tpu.memory_space<hbm>> -> memref<10240x128xf32, #tpu.memory_space<hbm>>
        tpu.enqueue_indirect_dma source(%dma_start3A_133 : memref<10240x128xf32, #tpu.memory_space<hbm>>) target(%arg14 : memref<80x128xf32, #tpu.memory_space<vmem>>) offsets(%arg10 : memref<80xi32, #tpu.memory_space<vmem>>) semaphore(%arg22 : memref<!tpu.dma_semaphore, #tpu.memory_space<semaphore_mem>>)
        "tpu.region"() ({
          %run_scoped3A = tpu.sem_alloc : memref<!tpu.dma_semaphore, #tpu.memory_space<semaphore_mem>>
          %dma_start3A_146 = arith.constant 0 : i32
          %dma_start3A_147 = arith.constant 0 : i32
          %dma_start3A_148 = tpu.memref_slice %arg17[%dma_start3A_146, %dma_start3A_147] : memref<10240x128xf32, #tpu.memory_space<vmem_shared>> -> memref<10240x128xf32, #tpu.memory_space<vmem_shared>>
          tpu.enqueue_indirect_dma source(%arg15 : memref<80x128xf32, #tpu.memory_space<vmem>>) target(%dma_start3A_148 : memref<10240x128xf32, #tpu.memory_space<vmem_shared>>) offsets(%arg13 : memref<80xi32, #tpu.memory_space<vmem>>) semaphore(%run_scoped3A : memref<!tpu.dma_semaphore, #tpu.memory_space<semaphore_mem>>) {add = true}
          %dma_wait3A_149 = arith.constant 0 : i32
          %dma_wait3A_150 = arith.constant 0 : i32
          %dma_wait3A_151 = tpu.memref_slice %arg17[%dma_wait3A_149, %dma_wait3A_150] : memref<10240x128xf32, #tpu.memory_space<vmem_shared>> -> memref<10240x128xf32, #tpu.memory_space<vmem_shared>>
          tpu.wait_indirect_dma semaphore(%run_scoped3A : memref<!tpu.dma_semaphore, #tpu.memory_space<semaphore_mem>>) src(%arg15 : memref<80x128xf32, #tpu.memory_space<vmem>>) dst(%dma_wait3A_151 : memref<10240x128xf32, #tpu.memory_space<vmem_shared>>)
          tpu.yield
        }) : () -> ()
        %add3A_134 = arith.constant 3 : i32
        %add3A_135 = arith.addi %add3A_88, %add3A_134 : i32
        %min3A_136 = arith.constant 124 : i32
        %min3A_137 = arith.minsi %add3A_135, %min3A_136 : i32
        %mul3A_138 = arith.constant 80 : i32
        %mul3A_139 = arith.muli %min3A_137, %mul3A_138 : i32
        %add3A_140 = arith.addi %mul3A_2, %mul3A_139 : i32
        %dma_start3A_141 = tpu.memref_slice %arg4[%add3A_140] : memref<160000xi32, #tpu.memory_space<hbm>> -> memref<80xi32, #tpu.memory_space<hbm>>
        %dma_start3A_142 = tpu.memref_slice %arg4[%add3A_140] : memref<160000xi32, #tpu.memory_space<hbm>> -> memref<80xi32, #tpu.memory_space<hbm>>
        tpu.enqueue_dma source(%dma_start3A_142 : memref<80xi32, #tpu.memory_space<hbm>>) target(%arg11 : memref<80xi32, #tpu.memory_space<vmem>>) target_semaphore(%arg19 : memref<!tpu.dma_semaphore, #tpu.memory_space<semaphore_mem>>)
        %dma_start3A_143 = tpu.memref_slice %arg5[%add3A_140] : memref<160000xi32, #tpu.memory_space<hbm>> -> memref<80xi32, #tpu.memory_space<hbm>>
        %dma_start3A_144 = tpu.memref_slice %arg5[%add3A_140] : memref<160000xi32, #tpu.memory_space<hbm>> -> memref<80xi32, #tpu.memory_space<hbm>>
        tpu.enqueue_dma source(%dma_start3A_144 : memref<80xi32, #tpu.memory_space<hbm>>) target(%arg13 : memref<80xi32, #tpu.memory_space<vmem>>) target_semaphore(%arg21 : memref<!tpu.dma_semaphore, #tpu.memory_space<semaphore_mem>>)
        %scan3A_145 = arith.constant 0 : i32
        scf.yield %scan3A_145 : i32
      }
      %scan3A_68 = arith.constant 62 : i32
      %dma_wait3A_69 = arith.constant 0 : i32
      %dma_wait3A_70 = arith.constant 0 : i32
      %dma_wait3A_71 = tpu.memref_slice %arg3[%dma_wait3A_69, %dma_wait3A_70] : memref<10240x128xf32, #tpu.memory_space<hbm>> -> memref<80x128xf32, #tpu.memory_space<hbm>>
      %dma_wait3A_72 = arith.constant 0 : i32
      %dma_wait3A_73 = arith.constant 0 : i32
      %dma_wait3A_74 = tpu.memref_slice %arg3[%dma_wait3A_72, %dma_wait3A_73] : memref<10240x128xf32, #tpu.memory_space<hbm>> -> memref<80x128xf32, #tpu.memory_space<hbm>>
      tpu.wait_dma2 semaphore(%arg22 : memref<!tpu.dma_semaphore, #tpu.memory_space<semaphore_mem>>) src(%dma_wait3A_74 : memref<80x128xf32, #tpu.memory_space<hbm>>) dst(%arg14 : memref<80x128xf32, #tpu.memory_space<vmem>>)
      "tpu.region"() ({
        %run_scoped3A = tpu.sem_alloc : memref<!tpu.dma_semaphore, #tpu.memory_space<semaphore_mem>>
        %dma_start3A_83 = arith.constant 0 : i32
        %dma_start3A_84 = arith.constant 0 : i32
        %dma_start3A_85 = tpu.memref_slice %arg17[%dma_start3A_83, %dma_start3A_84] : memref<10240x128xf32, #tpu.memory_space<vmem_shared>> -> memref<10240x128xf32, #tpu.memory_space<vmem_shared>>
        tpu.enqueue_indirect_dma source(%arg14 : memref<80x128xf32, #tpu.memory_space<vmem>>) target(%dma_start3A_85 : memref<10240x128xf32, #tpu.memory_space<vmem_shared>>) offsets(%arg12 : memref<80xi32, #tpu.memory_space<vmem>>) semaphore(%run_scoped3A : memref<!tpu.dma_semaphore, #tpu.memory_space<semaphore_mem>>) {add = true}
        %dma_wait3A_86 = arith.constant 0 : i32
        %dma_wait3A_87 = arith.constant 0 : i32
        %dma_wait3A_88 = tpu.memref_slice %arg17[%dma_wait3A_86, %dma_wait3A_87] : memref<10240x128xf32, #tpu.memory_space<vmem_shared>> -> memref<10240x128xf32, #tpu.memory_space<vmem_shared>>
        tpu.wait_indirect_dma semaphore(%run_scoped3A : memref<!tpu.dma_semaphore, #tpu.memory_space<semaphore_mem>>) src(%arg14 : memref<80x128xf32, #tpu.memory_space<vmem>>) dst(%dma_wait3A_88 : memref<10240x128xf32, #tpu.memory_space<vmem_shared>>)
        tpu.yield
      }) : () -> ()
      %dma_wait3A_75 = arith.constant 0 : i32
      %dma_wait3A_76 = tpu.memref_slice %arg4[%dma_wait3A_75] : memref<160000xi32, #tpu.memory_space<hbm>> -> memref<80xi32, #tpu.memory_space<hbm>>
      %dma_wait3A_77 = arith.constant 0 : i32
      %dma_wait3A_78 = tpu.memref_slice %arg4[%dma_wait3A_77] : memref<160000xi32, #tpu.memory_space<hbm>> -> memref<80xi32, #tpu.memory_space<hbm>>
      tpu.wait_dma2 semaphore(%arg19 : memref<!tpu.dma_semaphore, #tpu.memory_space<semaphore_mem>>) src(%dma_wait3A_78 : memref<80xi32, #tpu.memory_space<hbm>>) dst(%arg11 : memref<80xi32, #tpu.memory_space<vmem>>)
      %dma_wait3A_79 = arith.constant 0 : i32
      %dma_wait3A_80 = tpu.memref_slice %arg5[%dma_wait3A_79] : memref<160000xi32, #tpu.memory_space<hbm>> -> memref<80xi32, #tpu.memory_space<hbm>>
      %dma_wait3A_81 = arith.constant 0 : i32
      %dma_wait3A_82 = tpu.memref_slice %arg5[%dma_wait3A_81] : memref<160000xi32, #tpu.memory_space<hbm>> -> memref<80xi32, #tpu.memory_space<hbm>>
      tpu.wait_dma2 semaphore(%arg21 : memref<!tpu.dma_semaphore, #tpu.memory_space<semaphore_mem>>) src(%dma_wait3A_82 : memref<80xi32, #tpu.memory_space<hbm>>) dst(%arg13 : memref<80xi32, #tpu.memory_space<vmem>>)
    } else {
    }
    %barrier3A_24 = arith.constant 0 : index
    tpu.barrier barrier_id(%barrier3A_24)
    %eq3A_25 = arith.constant 0 : i32
    %eq3A_26 = arith.cmpi eq, %arg0, %eq3A_25 : i32
    %convert_element_type3A_27 = arith.extui %eq3A_26 : i1 to i32
    %cond3A_28 = arith.constant 0 : i32
    %cond3A_29 = arith.cmpi ne, %convert_element_type3A_27, %cond3A_28 : i32
    scf.if %cond3A_29 {
      "tpu.region"() ({
        %run_scoped3A = tpu.sem_alloc : memref<!tpu.dma_semaphore, #tpu.memory_space<semaphore_mem>>
        %dma_start3A = arith.constant 0 : i32
        %dma_start3A_37 = tpu.memref_slice %arg7[%mul3A_0, %dma_start3A] : memref<10240x128xf32, #tpu.memory_space<hbm>> -> memref<640x128xf32, #tpu.memory_space<hbm>>
        %dma_start3A_38 = arith.constant 0 : i32
        %dma_start3A_39 = tpu.memref_slice %arg17[%mul3A_0, %dma_start3A_38] : memref<10240x128xf32, #tpu.memory_space<vmem_shared>> -> memref<640x128xf32, #tpu.memory_space<vmem_shared>>
        tpu.enqueue_dma source(%dma_start3A_39 : memref<640x128xf32, #tpu.memory_space<vmem_shared>>) target(%dma_start3A_37 : memref<640x128xf32, #tpu.memory_space<hbm>>) target_semaphore(%run_scoped3A : memref<!tpu.dma_semaphore, #tpu.memory_space<semaphore_mem>>)
        %dma_wait3A = arith.constant 0 : i32
        %dma_wait3A_40 = tpu.memref_slice %arg7[%mul3A_0, %dma_wait3A] : memref<10240x128xf32, #tpu.memory_space<hbm>> -> memref<640x128xf32, #tpu.memory_space<hbm>>
        %dma_wait3A_41 = arith.constant 0 : i32
        %dma_wait3A_42 = tpu.memref_slice %arg17[%mul3A_0, %dma_wait3A_41] : memref<10240x128xf32, #tpu.memory_space<vmem_shared>> -> memref<640x128xf32, #tpu.memory_space<vmem_shared>>
        tpu.wait_dma2 semaphore(%run_scoped3A : memref<!tpu.dma_semaphore, #tpu.memory_space<semaphore_mem>>) src(%dma_wait3A_42 : memref<640x128xf32, #tpu.memory_space<vmem_shared>>) dst(%dma_wait3A_40 : memref<640x128xf32, #tpu.memory_space<hbm>>)
        tpu.yield
      }) : () -> ()
      %mul3A_35 = arith.constant 10240 : i32
      %mul3A_36 = arith.muli %arg1, %mul3A_35 : i32
      "tpu.region"() ({
        %run_scoped3A = tpu.sem_alloc : memref<!tpu.dma_semaphore, #tpu.memory_space<semaphore_mem>>
        %dma_start3A = tpu.memref_slice %arg9[%mul3A_36] : memref<163840xf32, #tpu.memory_space<hbm>> -> memref<10240xf32, #tpu.memory_space<hbm>>
        %dma_start3A_37 = tpu.memref_slice %arg9[%mul3A_36] : memref<163840xf32, #tpu.memory_space<hbm>> -> memref<10240xf32, #tpu.memory_space<hbm>>
        tpu.enqueue_dma source(%arg16 : memref<10240xf32, #tpu.memory_space<vmem>>) target(%dma_start3A_37 : memref<10240xf32, #tpu.memory_space<hbm>>) target_semaphore(%run_scoped3A : memref<!tpu.dma_semaphore, #tpu.memory_space<semaphore_mem>>)
        %dma_wait3A = tpu.memref_slice %arg9[%mul3A_36] : memref<163840xf32, #tpu.memory_space<hbm>> -> memref<10240xf32, #tpu.memory_space<hbm>>
        %dma_wait3A_38 = tpu.memref_slice %arg9[%mul3A_36] : memref<163840xf32, #tpu.memory_space<hbm>> -> memref<10240xf32, #tpu.memory_space<hbm>>
        tpu.wait_dma2 semaphore(%run_scoped3A : memref<!tpu.dma_semaphore, #tpu.memory_space<semaphore_mem>>) src(%arg16 : memref<10240xf32, #tpu.memory_space<vmem>>) dst(%dma_wait3A_38 : memref<10240xf32, #tpu.memory_space<hbm>>)
        tpu.yield
      }) : () -> ()
    } else {
    }
    %eq3A_30 = arith.constant 1 : i32
    %eq3A_31 = arith.cmpi eq, %arg0, %eq3A_30 : i32
    %convert_element_type3A_32 = arith.extui %eq3A_31 : i1 to i32
    %cond3A_33 = arith.constant 0 : i32
    %cond3A_34 = arith.cmpi ne, %convert_element_type3A_32, %cond3A_33 : i32
    scf.if %cond3A_34 {
      "tpu.region"() ({
        %run_scoped3A = tpu.sem_alloc : memref<!tpu.dma_semaphore, #tpu.memory_space<semaphore_mem>>
        %dma_start3A = arith.constant 0 : i32
        %dma_start3A_35 = tpu.memref_slice %arg8[%mul3A_0, %dma_start3A] : memref<10240x128xf32, #tpu.memory_space<hbm>> -> memref<640x128xf32, #tpu.memory_space<hbm>>
        %dma_start3A_36 = arith.constant 0 : i32
        %dma_start3A_37 = tpu.memref_slice %arg17[%mul3A_0, %dma_start3A_36] : memref<10240x128xf32, #tpu.memory_space<vmem_shared>> -> memref<640x128xf32, #tpu.memory_space<vmem_shared>>
        tpu.enqueue_dma source(%dma_start3A_37 : memref<640x128xf32, #tpu.memory_space<vmem_shared>>) target(%dma_start3A_35 : memref<640x128xf32, #tpu.memory_space<hbm>>) target_semaphore(%run_scoped3A : memref<!tpu.dma_semaphore, #tpu.memory_space<semaphore_mem>>)
        %dma_wait3A = arith.constant 0 : i32
        %dma_wait3A_38 = tpu.memref_slice %arg8[%mul3A_0, %dma_wait3A] : memref<10240x128xf32, #tpu.memory_space<hbm>> -> memref<640x128xf32, #tpu.memory_space<hbm>>
        %dma_wait3A_39 = arith.constant 0 : i32
        %dma_wait3A_40 = tpu.memref_slice %arg17[%mul3A_0, %dma_wait3A_39] : memref<10240x128xf32, #tpu.memory_space<vmem_shared>> -> memref<640x128xf32, #tpu.memory_space<vmem_shared>>
        tpu.wait_dma2 semaphore(%run_scoped3A : memref<!tpu.dma_semaphore, #tpu.memory_space<semaphore_mem>>) src(%dma_wait3A_40 : memref<640x128xf32, #tpu.memory_space<vmem_shared>>) dst(%dma_wait3A_38 : memref<640x128xf32, #tpu.memory_space<hbm>>)
        tpu.yield
      }) : () -> ()
    } else {
    }
    return
  }
}

#map = affine_map<(d0, d1) -> (0)>
module attributes {stable_mosaic.version = 14 : i64} {
  func.func @_sc_scalar_agg(%arg0: i32, %arg1: i32, %arg2: memref<10240xf32, #tpu.memory_space<hbm>>, %arg3: memref<160000xi32, #tpu.memory_space<hbm>>, %arg4: memref<160000xi32, #tpu.memory_space<hbm>>, %arg5: memref<163840xf32, #tpu.memory_space<hbm>>, %arg6: memref<10240xf32, #tpu.memory_space<vmem>>, %arg7: memref<10240xf32, #tpu.memory_space<vmem>>, %arg8: memref<10000xi32, #tpu.memory_space<vmem>>, %arg9: memref<10000xi32, #tpu.memory_space<vmem>>) attributes {dimension_semantics = [#tpu.dimension_semantics<core_parallel>, #tpu.dimension_semantics<subcore_parallel>], iteration_bounds = array<i64: 2, 16>, scalar_prefetch = 0 : i64, scratch_operands = 4 : i64, tpu.core_type = #tpu.core_type<sc_vector_subcore>, window_params = [{transform_indices = #map}, {transform_indices = #map}, {transform_indices = #map}, {transform_indices = #map}]} {
    %eq3A = arith.constant 0 : i32
    %eq3A_0 = arith.cmpi eq, %arg0, %eq3A : i32
    %convert_element_type3A = arith.extui %eq3A_0 : i1 to i32
    %cond3A = arith.constant 0 : i32
    %cond3A_1 = arith.cmpi ne, %convert_element_type3A, %cond3A : i32
    scf.if %cond3A_1 {
      %mul3A = arith.constant 10000 : i32
      %mul3A_2 = arith.muli %arg1, %mul3A : i32
      %scan3A = arith.constant 0 : i32
      %scan3A_3 = arith.constant 0 : i32
      %scan3A_4 = arith.constant 640 : i32
      %scan3A_5 = arith.addi %scan3A_3, %scan3A_4 : i32
      %scan3A_6 = arith.constant 1 : i32
      %scan3A_7 = scf.for %scan3A_18 = %scan3A_3 to %scan3A_5 step %scan3A_6 iter_args(%scan3A_19 = %scan3A) -> (i32)  : i32 {
        %broadcast_in_dim3A = arith.constant 0.000000e+00 : f32
        %broadcast_in_dim3A_20 = vector.broadcast %broadcast_in_dim3A : f32 to vector<16xf32>
        %mul3A_21 = arith.constant 16 : i32
        %mul3A_22 = arith.muli %scan3A_18, %mul3A_21 : i32
        %swap3A = arith.index_cast %mul3A_22 : i32 to index
        %swap3A_23 = tpu.vector_load %arg7[%swap3A] {strides = array<i32>} : memref<10240xf32, #tpu.memory_space<vmem>>, vector<16xf32>,
        tpu.vector_store %arg7[%swap3A], %broadcast_in_dim3A_20 {strides = array<i32>} : memref<10240xf32, #tpu.memory_space<vmem>>, vector<16xf32>,
        %scan3A_24 = arith.constant 0 : i32
        scf.yield %scan3A_24 : i32
      }
      %scan3A_8 = arith.constant 640 : i32
      "tpu.region"() ({
        %run_scoped3A = tpu.sem_alloc : memref<!tpu.dma_semaphore, #tpu.memory_space<semaphore_mem>>
        tpu.enqueue_dma source(%arg2 : memref<10240xf32, #tpu.memory_space<hbm>>) target(%arg6 : memref<10240xf32, #tpu.memory_space<vmem>>) target_semaphore(%run_scoped3A : memref<!tpu.dma_semaphore, #tpu.memory_space<semaphore_mem>>)
        tpu.wait_dma2 semaphore(%run_scoped3A : memref<!tpu.dma_semaphore, #tpu.memory_space<semaphore_mem>>) src(%arg2 : memref<10240xf32, #tpu.memory_space<hbm>>) dst(%arg6 : memref<10240xf32, #tpu.memory_space<vmem>>)
        tpu.yield
      }) : () -> ()
      "tpu.region"() ({
        %run_scoped3A = tpu.sem_alloc : memref<!tpu.dma_semaphore, #tpu.memory_space<semaphore_mem>>
        %dma_start3A = tpu.memref_slice %arg3[%mul3A_2] : memref<160000xi32, #tpu.memory_space<hbm>> -> memref<10000xi32, #tpu.memory_space<hbm>>
        %dma_start3A_18 = tpu.memref_slice %arg3[%mul3A_2] : memref<160000xi32, #tpu.memory_space<hbm>> -> memref<10000xi32, #tpu.memory_space<hbm>>
        tpu.enqueue_dma source(%dma_start3A_18 : memref<10000xi32, #tpu.memory_space<hbm>>) target(%arg8 : memref<10000xi32, #tpu.memory_space<vmem>>) target_semaphore(%run_scoped3A : memref<!tpu.dma_semaphore, #tpu.memory_space<semaphore_mem>>)
        %dma_wait3A = tpu.memref_slice %arg3[%mul3A_2] : memref<160000xi32, #tpu.memory_space<hbm>> -> memref<10000xi32, #tpu.memory_space<hbm>>
        %dma_wait3A_19 = tpu.memref_slice %arg3[%mul3A_2] : memref<160000xi32, #tpu.memory_space<hbm>> -> memref<10000xi32, #tpu.memory_space<hbm>>
        tpu.wait_dma2 semaphore(%run_scoped3A : memref<!tpu.dma_semaphore, #tpu.memory_space<semaphore_mem>>) src(%dma_wait3A_19 : memref<10000xi32, #tpu.memory_space<hbm>>) dst(%arg8 : memref<10000xi32, #tpu.memory_space<vmem>>)
        tpu.yield
      }) : () -> ()
      "tpu.region"() ({
        %run_scoped3A = tpu.sem_alloc : memref<!tpu.dma_semaphore, #tpu.memory_space<semaphore_mem>>
        %dma_start3A = tpu.memref_slice %arg4[%mul3A_2] : memref<160000xi32, #tpu.memory_space<hbm>> -> memref<10000xi32, #tpu.memory_space<hbm>>
        %dma_start3A_18 = tpu.memref_slice %arg4[%mul3A_2] : memref<160000xi32, #tpu.memory_space<hbm>> -> memref<10000xi32, #tpu.memory_space<hbm>>
        tpu.enqueue_dma source(%dma_start3A_18 : memref<10000xi32, #tpu.memory_space<hbm>>) target(%arg9 : memref<10000xi32, #tpu.memory_space<vmem>>) target_semaphore(%run_scoped3A : memref<!tpu.dma_semaphore, #tpu.memory_space<semaphore_mem>>)
        %dma_wait3A = tpu.memref_slice %arg4[%mul3A_2] : memref<160000xi32, #tpu.memory_space<hbm>> -> memref<10000xi32, #tpu.memory_space<hbm>>
        %dma_wait3A_19 = tpu.memref_slice %arg4[%mul3A_2] : memref<160000xi32, #tpu.memory_space<hbm>> -> memref<10000xi32, #tpu.memory_space<hbm>>
        tpu.wait_dma2 semaphore(%run_scoped3A : memref<!tpu.dma_semaphore, #tpu.memory_space<semaphore_mem>>) src(%dma_wait3A_19 : memref<10000xi32, #tpu.memory_space<hbm>>) dst(%arg9 : memref<10000xi32, #tpu.memory_space<vmem>>)
        tpu.yield
      }) : () -> ()
      %scan3A_9 = arith.constant 0 : i32
      %scan3A_10 = arith.constant 0 : i32
      %scan3A_11 = arith.constant 625 : i32
      %scan3A_12 = arith.addi %scan3A_10, %scan3A_11 : i32
      %scan3A_13 = arith.constant 1 : i32
      %scan3A_14 = scf.for %scan3A_18 = %scan3A_10 to %scan3A_12 step %scan3A_13 iter_args(%scan3A_19 = %scan3A_9) -> (i32)  : i32 {
        %mul3A_20 = arith.constant 16 : i32
        %mul3A_21 = arith.muli %scan3A_18, %mul3A_20 : i32
        %get3A = arith.index_cast %mul3A_21 : i32 to index
        %get3A_22 = tpu.vector_load %arg8[%get3A] {strides = array<i32>} : memref<10000xi32, #tpu.memory_space<vmem>>, vector<16xi32>,
        %mul3A_23 = arith.constant 16 : i32
        %mul3A_24 = arith.muli %scan3A_18, %mul3A_23 : i32
        %get3A_25 = arith.index_cast %mul3A_24 : i32 to index
        %get3A_26 = tpu.vector_load %arg9[%get3A_25] {strides = array<i32>} : memref<10000xi32, #tpu.memory_space<vmem>>, vector<16xi32>,
        %gather3A = tpu.vector_load_idx %arg6[%get3A_22] : memref<10240xf32, #tpu.memory_space<vmem>>[vector<16xi32>], vector<16xf32>,
        tpu.vector_store_idx %arg7[%get3A_26], %gather3A {add = true} : memref<10240xf32, #tpu.memory_space<vmem>>[vector<16xi32>], vector<16xf32>,
        %scan3A_27 = arith.constant 0 : i32
        scf.yield %scan3A_27 : i32
      }
      %scan3A_15 = arith.constant 625 : i32
      %mul3A_16 = arith.constant 10240 : i32
      %mul3A_17 = arith.muli %arg1, %mul3A_16 : i32
      "tpu.region"() ({
        %run_scoped3A = tpu.sem_alloc : memref<!tpu.dma_semaphore, #tpu.memory_space<semaphore_mem>>
        %dma_start3A = tpu.memref_slice %arg5[%mul3A_17] : memref<163840xf32, #tpu.memory_space<hbm>> -> memref<10240xf32, #tpu.memory_space<hbm>>
        %dma_start3A_18 = tpu.memref_slice %arg5[%mul3A_17] : memref<163840xf32, #tpu.memory_space<hbm>> -> memref<10240xf32, #tpu.memory_space<hbm>>
        tpu.enqueue_dma source(%arg7 : memref<10240xf32, #tpu.memory_space<vmem>>) target(%dma_start3A_18 : memref<10240xf32, #tpu.memory_space<hbm>>) target_semaphore(%run_scoped3A : memref<!tpu.dma_semaphore, #tpu.memory_space<semaphore_mem>>)
        %dma_wait3A = tpu.memref_slice %arg5[%mul3A_17] : memref<163840xf32, #tpu.memory_space<hbm>> -> memref<10240xf32, #tpu.memory_space<hbm>>
        %dma_wait3A_19 = tpu.memref_slice %arg5[%mul3A_17] : memref<163840xf32, #tpu.memory_space<hbm>> -> memref<10240xf32, #tpu.memory_space<hbm>>
        tpu.wait_dma2 semaphore(%run_scoped3A : memref<!tpu.dma_semaphore, #tpu.memory_space<semaphore_mem>>) src(%arg7 : memref<10240xf32, #tpu.memory_space<vmem>>) dst(%dma_wait3A_19 : memref<10240xf32, #tpu.memory_space<hbm>>)
        tpu.yield
      }) : () -> ()
    } else {
    }
    return
  }
}

module attributes {stable_mosaic.version = 14 : i64} {
  func.func @_tc1_body(%arg0: i32, %arg1: memref<1280x256xf32, #tpu.memory_space<vmem>>, %arg2: memref<1280x256xf32, #tpu.memory_space<vmem>>, %arg3: memref<512x256xf32, #tpu.memory_space<vmem>>, %arg4: memref<512x256xf32, #tpu.memory_space<vmem>>, %arg5: memref<1280x128xf32, #tpu.memory_space<vmem>>, %arg6: memref<1280x128xf32, #tpu.memory_space<vmem>>, %arg7: memref<1280x256xf32, #tpu.memory_space<vmem>>) attributes {dimension_semantics = [#tpu.dimension_semantics<arbitrary>], iteration_bounds = array<i64: 8>, scalar_prefetch = 0 : i64, scratch_operands = 0 : i64, tpu.core_type = #tpu.core_type<tc>, window_params = [{transform_indices = @transform_0, window_bounds = array<i64: 1280, 256>}, {transform_indices = @transform_1, window_bounds = array<i64: 1280, 256>}, {pipeline_mode = #tpu.pipeline_mode<synchronous>, transform_indices = @transform_2, window_bounds = array<i64: 512, 256>}, {pipeline_mode = #tpu.pipeline_mode<synchronous>, transform_indices = @transform_3, window_bounds = array<i64: 512, 256>}, {transform_indices = @transform_4, window_bounds = array<i64: 1280, 128>}, {transform_indices = @transform_5, window_bounds = array<i64: 1280, 128>}, {transform_indices = @transform_6, window_bounds = array<i64: 1280, 256>}]} {
    %get3A = arith.constant 0 : index
    %get3A_0 = arith.constant 0 : index
    %get3A_1 = vector.load %arg1[%get3A, %get3A_0] : memref<1280x256xf32, #tpu.memory_space<vmem>>, vector<1280x256xf32>
    %get3A_2 = arith.constant 0 : index
    %get3A_3 = arith.constant 0 : index
    %get3A_4 = vector.load %arg2[%get3A_2, %get3A_3] : memref<1280x256xf32, #tpu.memory_space<vmem>>, vector<1280x256xf32>
    %sub3A = arith.subf %get3A_1, %get3A_4 : vector<1280x256xf32>
    %abs3A = math.absf %sub3A : vector<1280x256xf32>
    %get3A_5 = arith.constant 0 : index
    %get3A_6 = arith.constant 0 : index
    %get3A_7 = vector.load %arg3[%get3A_5, %get3A_6] : memref<512x256xf32, #tpu.memory_space<vmem>>, vector<256x256xf32>
    %dot_general3A = arith.constant dense<0.000000e+00> : vector<1280x256xf32>
    %dot_general3A_8 = tpu.matmul %get3A_1, %get3A_7, %dot_general3A {dimension_numbers = #tpu.dot_dimension_numbers<[1], [0], [0], [1], [0, 0, 1, 1], [], []>, transpose_lhs_hint = false} : vector<1280x256xf32>, vector<256x256xf32>, vector<1280x256xf32> -> vector<1280x256xf32>
    %get3A_9 = arith.constant 256 : index
    %get3A_10 = arith.constant 0 : index
    %get3A_11 = vector.load %arg3[%get3A_9, %get3A_10] : memref<512x256xf32, #tpu.memory_space<vmem>>, vector<256x256xf32>
    %dot_general3A_12 = arith.constant dense<0.000000e+00> : vector<1280x256xf32>
    %dot_general3A_13 = tpu.matmul %abs3A, %get3A_11, %dot_general3A_12 {dimension_numbers = #tpu.dot_dimension_numbers<[1], [0], [0], [1], [0, 0, 1, 1], [], []>, transpose_lhs_hint = false} : vector<1280x256xf32>, vector<256x256xf32>, vector<1280x256xf32> -> vector<1280x256xf32>
    %add3A = arith.addf %dot_general3A_8, %dot_general3A_13 : vector<1280x256xf32>
    %slice3A = vector.extract_strided_slice %add3A {offsets = [0, 0], sizes = [1280, 128], strides = [1, 1]} : vector<1280x256xf32> to vector<1280x128xf32>
    %swap3A = arith.constant 0 : index
    %swap3A_14 = arith.constant 0 : index
    %swap3A_15 = vector.load %arg5[%swap3A, %swap3A_14] : memref<1280x128xf32, #tpu.memory_space<vmem>>, vector<1280x128xf32>
    tpu.vector_store %arg5[%swap3A, %swap3A_14], %slice3A {strides = array<i32>} : memref<1280x128xf32, #tpu.memory_space<vmem>>, vector<1280x128xf32>,
    %slice3A_16 = vector.extract_strided_slice %add3A {offsets = [0, 128], sizes = [1280, 128], strides = [1, 1]} : vector<1280x256xf32> to vector<1280x128xf32>
    %swap3A_17 = arith.constant 0 : index
    %swap3A_18 = arith.constant 0 : index
    %swap3A_19 = vector.load %arg6[%swap3A_17, %swap3A_18] : memref<1280x128xf32, #tpu.memory_space<vmem>>, vector<1280x128xf32>
    tpu.vector_store %arg6[%swap3A_17, %swap3A_18], %slice3A_16 {strides = array<i32>} : memref<1280x128xf32, #tpu.memory_space<vmem>>, vector<1280x128xf32>,
    %get3A_20 = arith.constant 0 : index
    %get3A_21 = arith.constant 0 : index
    %get3A_22 = vector.load %arg4[%get3A_20, %get3A_21] : memref<512x256xf32, #tpu.memory_space<vmem>>, vector<256x256xf32>
    %dot_general3A_23 = arith.constant dense<0.000000e+00> : vector<1280x256xf32>
    %dot_general3A_24 = tpu.matmul %get3A_1, %get3A_22, %dot_general3A_23 {dimension_numbers = #tpu.dot_dimension_numbers<[1], [0], [0], [1], [0, 0, 1, 1], [], []>, transpose_lhs_hint = false} : vector<1280x256xf32>, vector<256x256xf32>, vector<1280x256xf32> -> vector<1280x256xf32>
    %get3A_25 = arith.constant 256 : index
    %get3A_26 = arith.constant 0 : index
    %get3A_27 = vector.load %arg4[%get3A_25, %get3A_26] : memref<512x256xf32, #tpu.memory_space<vmem>>, vector<256x256xf32>
    %dot_general3A_28 = arith.constant dense<0.000000e+00> : vector<1280x256xf32>
    %dot_general3A_29 = tpu.matmul %abs3A, %get3A_27, %dot_general3A_28 {dimension_numbers = #tpu.dot_dimension_numbers<[1], [0], [0], [1], [0, 0, 1, 1], [], []>, transpose_lhs_hint = false} : vector<1280x256xf32>, vector<256x256xf32>, vector<1280x256xf32> -> vector<1280x256xf32>
    %add3A_30 = arith.addf %dot_general3A_24, %dot_general3A_29 : vector<1280x256xf32>
    %swap3A_31 = arith.constant 0 : index
    %swap3A_32 = arith.constant 0 : index
    %swap3A_33 = vector.load %arg7[%swap3A_31, %swap3A_32] : memref<1280x256xf32, #tpu.memory_space<vmem>>, vector<1280x256xf32>
    tpu.vector_store %arg7[%swap3A_31, %swap3A_32], %add3A_30 {strides = array<i32>} : memref<1280x256xf32, #tpu.memory_space<vmem>>, vector<1280x256xf32>,
    return
  }
  func.func @transform_0(%arg0: i32) -> (i32, i32) {
    %c0_i32 = arith.constant 0 : i32
    %c0_i32_0 = arith.constant 0 : i32
    return %arg0, %c0_i32 : i32, i32
  }
  func.func @transform_1(%arg0: i32) -> (i32, i32) {
    %c0_i32 = arith.constant 0 : i32
    %c0_i32_0 = arith.constant 0 : i32
    return %arg0, %c0_i32 : i32, i32
  }
  func.func @transform_2(%arg0: i32) -> (i32, i32) {
    %c0_i32 = arith.constant 0 : i32
    %c0_i32_0 = arith.constant 0 : i32
    %c0_i32_1 = arith.constant 0 : i32
    return %c0_i32, %c0_i32_0 : i32, i32
  }
  func.func @transform_3(%arg0: i32) -> (i32, i32) {
    %c0_i32 = arith.constant 0 : i32
    %c0_i32_0 = arith.constant 0 : i32
    %c0_i32_1 = arith.constant 0 : i32
    return %c0_i32, %c0_i32_0 : i32, i32
  }
  func.func @transform_4(%arg0: i32) -> (i32, i32) {
    %c0_i32 = arith.constant 0 : i32
    %c0_i32_0 = arith.constant 0 : i32
    return %arg0, %c0_i32 : i32, i32
  }
  func.func @transform_5(%arg0: i32) -> (i32, i32) {
    %c0_i32 = arith.constant 0 : i32
    %c0_i32_0 = arith.constant 0 : i32
    return %arg0, %c0_i32 : i32, i32
  }
  func.func @transform_6(%arg0: i32) -> (i32, i32) {
    %c0_i32 = arith.constant 0 : i32
    %c0_i32_0 = arith.constant 0 : i32
    return %arg0, %c0_i32 : i32, i32
  }
}

module attributes {stable_mosaic.version = 14 : i64} {
  func.func @_tc2_body(%arg0: i32, %arg1: memref<1280x128xf32, #tpu.memory_space<vmem>>, %arg2: memref<1280x128xf32, #tpu.memory_space<vmem>>, %arg3: memref<16x1280xf32, #tpu.memory_space<vmem>>, %arg4: memref<1280x256xf32, #tpu.memory_space<vmem>>, %arg5: memref<1x256xf32, #tpu.memory_space<vmem>>, %arg6: memref<256x16xf32, #tpu.memory_space<vmem>>, %arg7: memref<1280x256xf32, #tpu.memory_space<vmem>>, %arg8: memref<1280x16xf32, #tpu.memory_space<vmem>>) attributes {dimension_semantics = [#tpu.dimension_semantics<arbitrary>], iteration_bounds = array<i64: 8>, scalar_prefetch = 0 : i64, scratch_operands = 0 : i64, tpu.core_type = #tpu.core_type<tc>, window_params = [{transform_indices = @transform_0, window_bounds = array<i64: 1280, 128>}, {transform_indices = @transform_1, window_bounds = array<i64: 1280, 128>}, {transform_indices = @transform_2, window_bounds = array<i64: 16, 1280>}, {transform_indices = @transform_3, window_bounds = array<i64: 1280, 256>}, {pipeline_mode = #tpu.pipeline_mode<synchronous>, transform_indices = @transform_4, window_bounds = array<i64: 1, 256>}, {pipeline_mode = #tpu.pipeline_mode<synchronous>, transform_indices = @transform_5, window_bounds = array<i64: 256, 16>}, {transform_indices = @transform_6, window_bounds = array<i64: 1280, 256>}, {transform_indices = @transform_7, window_bounds = array<i64: 1280, 16>}]} {
    %get3A = arith.constant 0 : index
    %get3A_0 = arith.constant 0 : index
    %get3A_1 = vector.load %arg3[%get3A, %get3A_0] : memref<16x1280xf32, #tpu.memory_space<vmem>>, vector<16x1280xf32>
    %reduce_sum3A = arith.constant dense<0.000000e+00> : vector<1280xf32>
    %reduce_sum3A_2 = vector.multi_reduction <add>, %get3A_1, %reduce_sum3A [0] : vector<16x1280xf32> to vector<1280xf32>
    %broadcast_in_dim3A = vector.shape_cast %reduce_sum3A_2 : vector<1280xf32> to vector<1280x1xf32>
    %max3A = arith.constant 1.000000e+00 : f32
    %max3A_3 = vector.broadcast %max3A : f32 to vector<1280x1xf32>
    %max3A_4 = arith.maximumf %broadcast_in_dim3A, %max3A_3 : vector<1280x1xf32>
    %div3A = arith.constant 1.000000e+00 : f32
    %div3A_5 = vector.broadcast %div3A : f32 to vector<1280x1xf32>
    %div3A_6 = arith.divf %div3A_5, %max3A_4 : vector<1280x1xf32>
    %get3A_7 = arith.constant 0 : index
    %get3A_8 = arith.constant 0 : index
    %get3A_9 = vector.load %arg1[%get3A_7, %get3A_8] : memref<1280x128xf32, #tpu.memory_space<vmem>>, vector<1280x128xf32>
    %get3A_10 = arith.constant 0 : index
    %get3A_11 = arith.constant 0 : index
    %get3A_12 = vector.load %arg2[%get3A_10, %get3A_11] : memref<1280x128xf32, #tpu.memory_space<vmem>>, vector<1280x128xf32>
    %concatenate3A = tpu.concatenate %get3A_9, %get3A_12 in 1 : vector<1280x128xf32>, vector<1280x128xf32> -> vector<1280x256xf32>
    %mul3A = vector.broadcast %div3A_6 : vector<1280x1xf32> to vector<1280x256xf32>
    %mul3A_13 = arith.mulf %concatenate3A, %mul3A : vector<1280x256xf32>
    %get3A_14 = arith.constant 0 : index
    %get3A_15 = arith.constant 0 : index
    %get3A_16 = vector.load %arg4[%get3A_14, %get3A_15] : memref<1280x256xf32, #tpu.memory_space<vmem>>, vector<1280x256xf32>
    %add3A = arith.addf %mul3A_13, %get3A_16 : vector<1280x256xf32>
    %get3A_17 = arith.constant 0 : index
    %get3A_18 = arith.constant 0 : index
    %get3A_19 = vector.load %arg5[%get3A_17, %get3A_18] : memref<1x256xf32, #tpu.memory_space<vmem>>, vector<1x256xf32>
    %add3A_20 = vector.broadcast %get3A_19 : vector<1x256xf32> to vector<1280x256xf32>
    %add3A_21 = arith.addf %add3A, %add3A_20 : vector<1280x256xf32>
    %max3A_22 = arith.constant 0.000000e+00 : f32
    %max3A_23 = vector.broadcast %max3A_22 : f32 to vector<1280x256xf32>
    %max3A_24 = arith.maximumf %add3A_21, %max3A_23 : vector<1280x256xf32>
    %swap3A = arith.constant 0 : index
    %swap3A_25 = arith.constant 0 : index
    %swap3A_26 = vector.load %arg7[%swap3A, %swap3A_25] : memref<1280x256xf32, #tpu.memory_space<vmem>>, vector<1280x256xf32>
    tpu.vector_store %arg7[%swap3A, %swap3A_25], %max3A_24 {strides = array<i32>} : memref<1280x256xf32, #tpu.memory_space<vmem>>, vector<1280x256xf32>,
    %get3A_27 = arith.constant 0 : index
    %get3A_28 = arith.constant 0 : index
    %get3A_29 = vector.load %arg6[%get3A_27, %get3A_28] : memref<256x16xf32, #tpu.memory_space<vmem>>, vector<256x16xf32>
    %dot_general3A = arith.constant dense<0.000000e+00> : vector<1280x16xf32>
    %dot_general3A_30 = tpu.matmul %max3A_24, %get3A_29, %dot_general3A {dimension_numbers = #tpu.dot_dimension_numbers<[1], [0], [0], [1], [0, 0, 1, 1], [], []>, transpose_lhs_hint = false} : vector<1280x256xf32>, vector<256x16xf32>, vector<1280x16xf32> -> vector<1280x16xf32>
    %swap3A_31 = arith.constant 0 : index
    %swap3A_32 = arith.constant 0 : index
    %swap3A_33 = vector.load %arg8[%swap3A_31, %swap3A_32] : memref<1280x16xf32, #tpu.memory_space<vmem>>, vector<1280x16xf32>
    tpu.vector_store %arg8[%swap3A_31, %swap3A_32], %dot_general3A_30 {strides = array<i32>} : memref<1280x16xf32, #tpu.memory_space<vmem>>, vector<1280x16xf32>,
    return
  }
  func.func @transform_0(%arg0: i32) -> (i32, i32) {
    %c0_i32 = arith.constant 0 : i32
    %c0_i32_0 = arith.constant 0 : i32
    return %arg0, %c0_i32 : i32, i32
  }
  func.func @transform_1(%arg0: i32) -> (i32, i32) {
    %c0_i32 = arith.constant 0 : i32
    %c0_i32_0 = arith.constant 0 : i32
    return %arg0, %c0_i32 : i32, i32
  }
  func.func @transform_2(%arg0: i32) -> (i32, i32) {
    %c0_i32 = arith.constant 0 : i32
    %c0_i32_0 = arith.constant 0 : i32
    return %c0_i32, %arg0 : i32, i32
  }
  func.func @transform_3(%arg0: i32) -> (i32, i32) {
    %c0_i32 = arith.constant 0 : i32
    %c0_i32_0 = arith.constant 0 : i32
    return %arg0, %c0_i32 : i32, i32
  }
  func.func @transform_4(%arg0: i32) -> (i32, i32) {
    %c0_i32 = arith.constant 0 : i32
    %c0_i32_0 = arith.constant 0 : i32
    %c0_i32_1 = arith.constant 0 : i32
    return %c0_i32, %c0_i32_0 : i32, i32
  }
  func.func @transform_5(%arg0: i32) -> (i32, i32) {
    %c0_i32 = arith.constant 0 : i32
    %c0_i32_0 = arith.constant 0 : i32
    %c0_i32_1 = arith.constant 0 : i32
    return %c0_i32, %c0_i32_0 : i32, i32
  }
  func.func @transform_6(%arg0: i32) -> (i32, i32) {
    %c0_i32 = arith.constant 0 : i32
    %c0_i32_0 = arith.constant 0 : i32
    return %arg0, %c0_i32 : i32, i32
  }
  func.func @transform_7(%arg0: i32) -> (i32, i32) {
    %c0_i32 = arith.constant 0 : i32
    %c0_i32_0 = arith.constant 0 : i32
    return %arg0, %c0_i32 : i32, i32
  }
}

module attributes {stable_mosaic.version = 14 : i64} {
  func.func @_tc3_body(%arg0: memref<10240x256xf32, #tpu.memory_space<vmem>>, %arg1: memref<10240x16xf32, #tpu.memory_space<vmem>>, %arg2: memref<16x10240xf32, #tpu.memory_space<vmem>>, %arg3: memref<16x10240xf32, #tpu.memory_space<vmem>>, %arg4: memref<1x16xf32, #tpu.memory_space<vmem>>, %arg5: memref<1x64xf32, #tpu.memory_space<vmem>>, %arg6: memref<1x64xf32, #tpu.memory_space<vmem>>, %arg7: memref<16x64xf32, #tpu.memory_space<vmem>>, %arg8: memref<16x64xf32, #tpu.memory_space<vmem>>, %arg9: memref<16x128xf32, #tpu.memory_space<vmem>>, %arg10: memref<16x1xf32, #tpu.memory_space<vmem>>, %arg11: memref<272x2xf32, #tpu.memory_space<vmem>>, %arg12: memref<1x2xf32, #tpu.memory_space<vmem>>, %arg13: memref<1x1xf32, #tpu.memory_space<vmem>>, %arg14: memref<1x2xf32, #tpu.memory_space<vmem>>, %arg15: memref<10240x16xf32, #tpu.memory_space<vmem>>) attributes {dimension_semantics = [], scalar_prefetch = 0 : i64, scratch_operands = 0 : i64, tpu.core_type = #tpu.core_type<tc>} {
    %get3A = arith.constant 0 : index
    %get3A_0 = arith.constant 0 : index
    %get3A_1 = vector.load %arg9[%get3A, %get3A_0] : memref<16x128xf32, #tpu.memory_space<vmem>>, vector<16x128xf32>
    %slice3A = vector.extract_strided_slice %get3A_1 {offsets = [0, 0], sizes = [16, 64], strides = [1, 1]} : vector<16x128xf32> to vector<16x64xf32>
    %get3A_2 = arith.constant 0 : index
    %get3A_3 = arith.constant 0 : index
    %get3A_4 = vector.load %arg5[%get3A_2, %get3A_3] : memref<1x64xf32, #tpu.memory_space<vmem>>, vector<1x64xf32>
    %mul3A = vector.broadcast %get3A_4 : vector<1x64xf32> to vector<16x64xf32>
    %mul3A_5 = arith.mulf %slice3A, %mul3A : vector<16x64xf32>
    %reduce_sum3A = arith.constant dense<0.000000e+00> : vector<16xf32>
    %reduce_sum3A_6 = vector.multi_reduction <add>, %mul3A_5, %reduce_sum3A [1] : vector<16x64xf32> to vector<16xf32>
    %get3A_7 = arith.constant 0 : index
    %get3A_8 = arith.constant 0 : index
    %get3A_9 = vector.load %arg4[%get3A_7, %get3A_8] : memref<1x16xf32, #tpu.memory_space<vmem>>, vector<1x16xf32>
    %reshape3A = vector.shape_cast %get3A_9 : vector<1x16xf32> to vector<16x1xf32>
    %get3A_10 = arith.constant 0 : index
    %get3A_11 = arith.constant 0 : index
    %get3A_12 = vector.load %arg7[%get3A_10, %get3A_11] : memref<16x64xf32, #tpu.memory_space<vmem>>, vector<16x64xf32>
    %mul3A_13 = vector.broadcast %reshape3A : vector<16x1xf32> to vector<16x64xf32>
    %mul3A_14 = arith.mulf %mul3A_13, %get3A_12 : vector<16x64xf32>
    %get3A_15 = arith.constant 0 : index
    %get3A_16 = arith.constant 0 : index
    %get3A_17 = vector.load %arg8[%get3A_15, %get3A_16] : memref<16x64xf32, #tpu.memory_space<vmem>>, vector<16x64xf32>
    %add3A = arith.addf %mul3A_14, %get3A_17 : vector<16x64xf32>
    %get3A_18 = arith.constant 0 : index
    %get3A_19 = arith.constant 0 : index
    %get3A_20 = vector.load %arg6[%get3A_18, %get3A_19] : memref<1x64xf32, #tpu.memory_space<vmem>>, vector<1x64xf32>
    %slice3A_21 = vector.extract_strided_slice %get3A_1 {offsets = [0, 0], sizes = [16, 64], strides = [1, 1]} : vector<16x128xf32> to vector<16x64xf32>
    %mul3A_22 = vector.broadcast %get3A_20 : vector<1x64xf32> to vector<16x64xf32>
    %mul3A_23 = arith.mulf %mul3A_22, %slice3A_21 : vector<16x64xf32>
    %reduce_sum3A_24 = arith.constant dense<0.000000e+00> : vector<16xf32>
    %reduce_sum3A_25 = vector.multi_reduction <add>, %mul3A_23, %reduce_sum3A_24 [1] : vector<16x64xf32> to vector<16xf32>
    %slice3A_26 = vector.extract_strided_slice %get3A_1 {offsets = [0, 64], sizes = [16, 64], strides = [1, 1]} : vector<16x128xf32> to vector<16x64xf32>
    %mul3A_27 = arith.mulf %add3A, %slice3A_26 : vector<16x64xf32>
    %reduce_sum3A_28 = arith.constant dense<0.000000e+00> : vector<16xf32>
    %reduce_sum3A_29 = vector.multi_reduction <add>, %mul3A_27, %reduce_sum3A_28 [1] : vector<16x64xf32> to vector<16xf32>
    %add3A_30 = arith.addf %reduce_sum3A_25, %reduce_sum3A_29 : vector<16xf32>
    %get3A_31 = arith.constant 0 : index
    %get3A_32 = arith.constant 0 : index
    %get3A_33 = vector.load %arg10[%get3A_31, %get3A_32] : memref<16x1xf32, #tpu.memory_space<vmem>>, vector<16x1xf32>
    %squeeze3A = vector.shape_cast %get3A_33 : vector<16x1xf32> to vector<16xf32>
    %add3A_34 = arith.addf %add3A_30, %squeeze3A : vector<16xf32>
    %get3A_35 = arith.constant 0 : index
    %get3A_36 = arith.constant 0 : index
    %get3A_37 = vector.load %arg3[%get3A_35, %get3A_36] : memref<16x10240xf32, #tpu.memory_space<vmem>>, vector<16x10240xf32>
    %reduce_sum3A_38 = arith.constant dense<0.000000e+00> : vector<10240xf32>
    %reduce_sum3A_39 = vector.multi_reduction <add>, %get3A_37, %reduce_sum3A_38 [0] : vector<16x10240xf32> to vector<10240xf32>
    %broadcast_in_dim3A = vector.shape_cast %reduce_sum3A_39 : vector<10240xf32> to vector<10240x1xf32>
    %max3A = arith.constant 1.000000e+00 : f32
    %max3A_40 = vector.broadcast %max3A : f32 to vector<10240x1xf32>
    %max3A_41 = arith.maximumf %broadcast_in_dim3A, %max3A_40 : vector<10240x1xf32>
    %get3A_42 = arith.constant 0 : index
    %get3A_43 = arith.constant 0 : index
    %get3A_44 = vector.load %arg2[%get3A_42, %get3A_43] : memref<16x10240xf32, #tpu.memory_space<vmem>>, vector<16x10240xf32>
    %reduce_sum3A_45 = arith.constant dense<0.000000e+00> : vector<10240xf32>
    %reduce_sum3A_46 = vector.multi_reduction <add>, %get3A_44, %reduce_sum3A_45 [0] : vector<16x10240xf32> to vector<10240xf32>
    %broadcast_in_dim3A_47 = vector.shape_cast %reduce_sum3A_46 : vector<10240xf32> to vector<10240x1xf32>
    %div3A = arith.divf %broadcast_in_dim3A_47, %max3A_41 : vector<10240x1xf32>
    %get3A_48 = arith.constant 0 : index
    %get3A_49 = arith.constant 0 : index
    %get3A_50 = vector.load %arg1[%get3A_48, %get3A_49] : memref<10240x16xf32, #tpu.memory_space<vmem>>, vector<10240x16xf32>
    %slice3A_51 = vector.extract_strided_slice %get3A_50 {offsets = [0, 1], sizes = [10240, 1], strides = [1, 1]} : vector<10240x16xf32> to vector<10240x1xf32>
    %add3A_52 = arith.addf %div3A, %slice3A_51 : vector<10240x1xf32>
    %get3A_53 = arith.constant 0 : index
    %get3A_54 = arith.constant 0 : index
    %get3A_55 = vector.load %arg13[%get3A_53, %get3A_54] : memref<1x1xf32, #tpu.memory_space<vmem>>, vector<1x1xf32>
    %add3A_56 = vector.broadcast %get3A_55 : vector<1x1xf32> to vector<10240x1xf32>
    %add3A_57 = arith.addf %add3A_52, %add3A_56 : vector<10240x1xf32>
    %broadcast_in_dim3A_58 = vector.shape_cast %reduce_sum3A_6 : vector<16xf32> to vector<1x16xf32>
    %mul3A_59 = vector.broadcast %add3A_57 : vector<10240x1xf32> to vector<10240x16xf32>
    %mul3A_60 = vector.broadcast %broadcast_in_dim3A_58 : vector<1x16xf32> to vector<10240x16xf32>
    %mul3A_61 = arith.mulf %mul3A_59, %mul3A_60 : vector<10240x16xf32>
    %broadcast_in_dim3A_62 = vector.shape_cast %add3A_34 : vector<16xf32> to vector<1x16xf32>
    %add3A_63 = vector.broadcast %broadcast_in_dim3A_62 : vector<1x16xf32> to vector<10240x16xf32>
    %add3A_64 = arith.addf %mul3A_61, %add3A_63 : vector<10240x16xf32>
    %logistic3A = arith.negf %add3A_64 : vector<10240x16xf32>
    %logistic3A_65 = math.exp %logistic3A : vector<10240x16xf32>
    %logistic3A_66 = arith.constant 1.000000e+00 : f32
    %logistic3A_67 = vector.broadcast %logistic3A_66 : f32 to vector<10240x16xf32>
    %logistic3A_68 = arith.addf %logistic3A_67, %logistic3A_65 : vector<10240x16xf32>
    %logistic3A_69 = arith.divf %logistic3A_67, %logistic3A_68 : vector<10240x16xf32>
    %swap3A = arith.constant 0 : index
    %swap3A_70 = arith.constant 0 : index
    %swap3A_71 = vector.load %arg15[%swap3A, %swap3A_70] : memref<10240x16xf32, #tpu.memory_space<vmem>>, vector<10240x16xf32>
    tpu.vector_store %arg15[%swap3A, %swap3A_70], %logistic3A_69 {strides = array<i32>} : memref<10240x16xf32, #tpu.memory_space<vmem>>, vector<10240x16xf32>,
    %iota3A = tpu.iota {dimensions = array<i32: 0>} : vector<10240x1xi32>
    %lt3A = arith.constant 10000 : i32
    %lt3A_72 = vector.broadcast %lt3A : i32 to vector<10240x1xi32>
    %lt3A_73 = arith.cmpi slt, %iota3A, %lt3A_72 : vector<10240x1xi32>
    %reduce_sum3A_74 = arith.constant dense<0.000000e+00> : vector<10240xf32>
    %reduce_sum3A_75 = vector.multi_reduction <add>, %logistic3A_69, %reduce_sum3A_74 [1] : vector<10240x16xf32> to vector<10240xf32>
    %broadcast_in_dim3A_76 = vector.shape_cast %reduce_sum3A_75 : vector<10240xf32> to vector<10240x1xf32>
    %jit3A = arith.constant 0xFF800000 : f32
    %broadcast_in_dim3A_77 = vector.broadcast %jit3A : f32 to vector<10240x1xf32>
    %select_n3A = arith.select %lt3A_73, %broadcast_in_dim3A_76, %broadcast_in_dim3A_77 : vector<10240x1xi1>, vector<10240x1xf32>
    %reduce_max3A = vector.shape_cast %select_n3A : vector<10240x1xf32> to vector<1x10240x1xf32>
    %reduce_max3A_78 = arith.constant dense<0xFF800000> : vector<1xf32>
    %reduce_max3A_79 = vector.multi_reduction <maximumf>, %reduce_max3A, %reduce_max3A_78 [1, 2] : vector<1x10240x1xf32> to vector<1xf32>
    %reduce_max3A_80 = vector.shape_cast %reduce_max3A_79 : vector<1xf32> to vector<1x1x1xf32>
    %reduce_max3A_81 = vector.extract %reduce_max3A_80[0, 0, 0] : f32 from vector<1x1x1xf32>
    %sub3A = vector.broadcast %reduce_max3A_81 : f32 to vector<10240x1xf32>
    %sub3A_82 = arith.subf %select_n3A, %sub3A : vector<10240x1xf32>
    %exp3A = math.exp %sub3A_82 : vector<10240x1xf32>
    %jit3A_83 = arith.constant 0.000000e+00 : f32
    %broadcast_in_dim3A_84 = vector.broadcast %jit3A_83 : f32 to vector<10240x1xf32>
    %select_n3A_85 = arith.select %lt3A_73, %exp3A, %broadcast_in_dim3A_84 : vector<10240x1xi1>, vector<10240x1xf32>
    %reduce_sum3A_86 = vector.shape_cast %select_n3A_85 : vector<10240x1xf32> to vector<1x10240x1xf32>
    %reduce_sum3A_87 = arith.constant dense<0.000000e+00> : vector<1xf32>
    %reduce_sum3A_88 = vector.multi_reduction <add>, %reduce_sum3A_86, %reduce_sum3A_87 [1, 2] : vector<1x10240x1xf32> to vector<1xf32>
    %reduce_sum3A_89 = vector.shape_cast %reduce_sum3A_88 : vector<1xf32> to vector<1x1x1xf32>
    %reduce_sum3A_90 = vector.extract %reduce_sum3A_89[0, 0, 0] : f32 from vector<1x1x1xf32>
    %div3A_91 = vector.broadcast %reduce_sum3A_90 : f32 to vector<10240x1xf32>
    %div3A_92 = arith.divf %select_n3A_85, %div3A_91 : vector<10240x1xf32>
    %get3A_93 = arith.constant 0 : index
    %get3A_94 = arith.constant 0 : index
    %get3A_95 = vector.load %arg0[%get3A_93, %get3A_94] : memref<10240x256xf32, #tpu.memory_space<vmem>>, vector<10240x256xf32>
    %dot_general3A = arith.constant dense<0.000000e+00> : vector<1x256xf32>
    %dot_general3A_96 = tpu.matmul %div3A_92, %get3A_95, %dot_general3A {dimension_numbers = #tpu.dot_dimension_numbers<[0], [0], [1], [1], [0, 1, 1, 1], [], []>, transpose_lhs_hint = false} : vector<10240x1xf32>, vector<10240x256xf32>, vector<1x256xf32> -> vector<1x256xf32>
    %get3A_97 = arith.constant 0 : index
    %get3A_98 = arith.constant 0 : index
    %get3A_99 = vector.load %arg11[%get3A_97, %get3A_98] : memref<272x2xf32, #tpu.memory_space<vmem>>, vector<272x2xf32>
    %slice3A_100 = vector.extract_strided_slice %get3A_99 {offsets = [0, 0], sizes = [256, 2], strides = [1, 1]} : vector<272x2xf32> to vector<256x2xf32>
    %dot_general3A_101 = arith.constant dense<0.000000e+00> : vector<1x2xf32>
    %dot_general3A_102 = tpu.matmul %dot_general3A_96, %slice3A_100, %dot_general3A_101 {dimension_numbers = #tpu.dot_dimension_numbers<[1], [0], [0], [1], [0, 0, 1, 1], [], []>, transpose_lhs_hint = false} : vector<1x256xf32>, vector<256x2xf32>, vector<1x2xf32> -> vector<1x2xf32>
    %get3A_103 = arith.constant 0 : index
    %get3A_104 = arith.constant 0 : index
    %get3A_105 = vector.load %arg4[%get3A_103, %get3A_104] : memref<1x16xf32, #tpu.memory_space<vmem>>, vector<1x16xf32>
    %slice3A_106 = vector.extract_strided_slice %get3A_99 {offsets = [256, 0], sizes = [16, 2], strides = [1, 1]} : vector<272x2xf32> to vector<16x2xf32>
    %dot_general3A_107 = arith.constant dense<0.000000e+00> : vector<1x2xf32>
    %dot_general3A_108 = tpu.matmul %get3A_105, %slice3A_106, %dot_general3A_107 {dimension_numbers = #tpu.dot_dimension_numbers<[1], [0], [0], [1], [0, 0, 1, 1], [], []>, transpose_lhs_hint = false} : vector<1x16xf32>, vector<16x2xf32>, vector<1x2xf32> -> vector<1x2xf32>
    %add3A_109 = arith.addf %dot_general3A_102, %dot_general3A_108 : vector<1x2xf32>
    %get3A_110 = arith.constant 0 : index
    %get3A_111 = arith.constant 0 : index
    %get3A_112 = vector.load %arg12[%get3A_110, %get3A_111] : memref<1x2xf32, #tpu.memory_space<vmem>>, vector<1x2xf32>
    %add3A_113 = arith.addf %add3A_109, %get3A_112 : vector<1x2xf32>
    %logistic3A_114 = arith.negf %add3A_113 : vector<1x2xf32>
    %logistic3A_115 = math.exp %logistic3A_114 : vector<1x2xf32>
    %logistic3A_116 = arith.constant 1.000000e+00 : f32
    %logistic3A_117 = vector.broadcast %logistic3A_116 : f32 to vector<1x2xf32>
    %logistic3A_118 = arith.addf %logistic3A_117, %logistic3A_115 : vector<1x2xf32>
    %logistic3A_119 = arith.divf %logistic3A_117, %logistic3A_118 : vector<1x2xf32>
    %swap3A_120 = arith.constant 0 : index
    %swap3A_121 = arith.constant 0 : index
    %swap3A_122 = vector.load %arg14[%swap3A_120, %swap3A_121] : memref<1x2xf32, #tpu.memory_space<vmem>>, vector<1x2xf32>
    tpu.vector_store %arg14[%swap3A_120, %swap3A_121], %logistic3A_119 {strides = array<i32>} : memref<1x2xf32, #tpu.memory_space<vmem>>, vector<1x2xf32>,
    return
  }
}

</mosaic_0001>

<sc_bundles>
// kernel: kernel.10.cloned.1.call-start
scs
__scs_entry_jumppad:
0x0: {  	(pc) =	sbr.rel $0x88, $3  }
0x1: {  	(tag) =	ssettag $0x0;
	lr =	simm.s32 $0x1  }
0x2: {  	[smem:$0x3F8F] =	sst lr;
	_ =	strace $0xD0000000  }
0x3: {  	_ = 	snop  }
0x4: {  	_ = 	snop  }
0x5: {  	_ = 	snop  }
0x6: {  	_ = 	snop  }
0x7: {  	_ = 	snop  }
__scs_overlays_trampoline_lowered:
0x8: {  	[smem:$0x3F9E] =	sst s0  }
0x9: {  	[smem:$0x3F9F] =	sst s1  }
0xa: {  	[smem:$0x3FA0] =	sst s2  }
0xb: {  	[smem:$0x3FA1] =	sst s3  }
0xc: {  	[smem:$0x3FA2] =	sst s4  }
0xd: {  	[smem:$0x3FA3] =	sst s5  }
0xe: {  	[smem:$0x3FA4] =	sst s6  }
0xf: {  	[smem:$0x3FA5] =	sst s7  }
0x10: {  	[smem:$0x3FA6] =	sst s8  }
0x11: {  	[smem:$0x3FA7] =	sst s9;
	s0 =	simm.s32 @!p0 $0x0  }
0x12: {  	s1 =	sld [smem:$0x3F8D];
	s0 =	simm.s32 @p0 $0x1  }
0x13: {  	[smem:$0x3FA8] =	sst s0;
	s0 =	simm.s32 @!p1 $0x0  }
0x14: {  	s2 =	sld [smem:$0x3F8C];
	s0 =	simm.s32 @p1 $0x1  }
0x15: {  	[smem:$0x3FA9] =	sst s0;
	s0 =	simm.s32 @!p2 $0x0  }
0x16: {  	s3 =	sld [smem:$0x3FDB];
	s0 =	simm.s32 @p2 $0x1  }
0x17: {  	s4 =	simm.s32 $0x1BF5;
	[smem:$0x3FAB] =	sst s0  }
0x18: {  	s0 =	sld [smem:$0x3F8E];
	_ =	swait.ge [sflag:s4], $0x0  }
0x19: {  	s7 =	sld [smem:$0x3F8F]  }
0x1a: {  	s8 =	sadd.s32 $0xFFFFE003, lr  }
0x1b: {  	s9 =	sadd.s32 $0xFFFFFEF7, lr;
	s5 =	simm.s32 $0xFFFFFFFF;
	p2 =	slt.u32 s8, $0xFFFFF086  }
0x1c: {  	p1 =	slt.u32 s9, $0xF7A;
	s5 =	simm.s32 @!p2 $0x0  }
0x1d: {  	s5 =	simm.s32 @p1 $0x1;
	p0 =	seq.s32 s7, s2  }
0x1e: {  	s7 =	smul.u32 @!p0 $0xF7A, s2;
	p2 =	seq.s32 @!p0 s5, $0x0  }
0x1f: {  	s9 =	smul.u32 $0xF7A, s1;
	s8 =	simm.s32 @!p0 $0x1BF5;
	p2 =	por !p2, p0  }
0x20: {  	[sflag:s8] =	ssyncset.s32 @!p0 $0xFFFFF086;
	s6 =	sadd.s32 @!p0 s3, s7;
	s7 =	simm.s32 @!p0 $0x108  }
0x21: {  	s3 =	sadd.s32 s3, s9;
	s6 =	sadd.s32 @!p0 $0x88, s6;
	s7 =	simm.s32 @p2 $0x1082  }
0x22: {  	[simem:s7], [sflag:s8] =	dma.local @!p0 [hbm:s6], $0xF7A  }
0x23: {  	s9 =	sor.u32 $0xD0000000, s2;
	s6 =	simm.s32 $0x108;
	_ =	swait.ge @!p0 [sflag:s8], $0x0  }
0x24: {  	s3 =	sadd.s32 $0x88, s3;
	s6 =	simm.s32 @!p1 $0x1082;
	[sflag:s4] =	ssyncset.s32 $0xFFFFF086  }
0x25: {  	[simem:s6], [sflag:s4] =	dma.local [hbm:s3], $0xF7A  }
0x26: {  	[smem:$0x3F8F] =	sst s1;
	(tag) =	ssettag s2;
	_ =	strace s9  }
0x27: {  	s1 =	sld [smem:$0x3F9F]  }
0x28: {  	s2 =	sld [smem:$0x3FA0]  }
0x29: {  	s4 =	sld [smem:$0x3FA2]  }
0x2a: {  	p0 =	seq.s32 s5, $0x0;
	s5 =	sld [smem:$0x3FA3]  }
0x2b: {  	s6 =	sld [smem:$0x3FA4]  }
0x2c: {  	s7 =	sld [smem:$0x3FA5]  }
0x2d: {  	s3 =	simm.s32 $0x108;
	s8 =	sld [smem:$0x3FA6]  }
0x2e: {  	s3 =	simm.s32 @!p0 $0x1082;
	s9 =	sld [smem:$0x3FA7]  }
0x2f: {  	lr =	sadd.s32 s0, s3;
	s0 =	sld [smem:$0x3F9E]  }
0x30: {  	s3 =	sld [smem:$0x3FA1]  }
0x31: {  	[smem:$0x3FAA] =	sst s10  }
0x32: {  	s10 =	sld [smem:$0x3FA8];
	_ =	sdelay $0x3  }
0x33: {  	p0 =	seq.s32 s10, $0x1;
	s10 =	sld [smem:$0x3FAA];
	_ =	sdelay $0x3  }
0x34: {  	[smem:$0x3FAA] =	sst s10  }
0x35: {  	s10 =	sld [smem:$0x3FA9];
	_ =	sdelay $0x3  }
0x36: {  	p1 =	seq.s32 s10, $0x1;
	s10 =	sld [smem:$0x3FAA];
	_ =	sdelay $0x3  }
0x37: {  	[smem:$0x3FAA] =	sst s10  }
0x38: {  	s10 =	sld [smem:$0x3FAB]  }
0x39: {  	_ = 	snop;
	(pc) =	sbr.ind lr, $3  }
0x3a: {  	_ = 	snop  }
0x3b: {  	_ = 	snop  }
0x3c: {  	p2 =	seq.s32 s10, $0x1;
	s10 =	sld [smem:$0x3FAA]  }
0x3d: {  	_ =	shalt  }
0x3e: {  	_ =	shalt  }
0x3f: {  	_ =	shalt  }
0x40: {  	_ =	shalt  }
0x41: {  	_ =	shalt  }
0x42: {  	_ =	shalt  }
0x43: {  	_ =	shalt  }
0x44: {  	_ =	shalt  }
0x45: {  	_ =	shalt  }
0x46: {  	_ =	shalt  }
0x47: {  	_ =	shalt  }
0x48: {  	_ =	shalt  }
0x49: {  	_ =	shalt  }
0x4a: {  	_ =	shalt  }
0x4b: {  	_ =	shalt  }
0x4c: {  	_ =	shalt  }
0x4d: {  	_ =	shalt  }
0x4e: {  	_ =	shalt  }
0x4f: {  	_ =	shalt  }
0x50: {  	_ =	shalt  }
0x51: {  	_ =	shalt  }
0x52: {  	_ =	shalt  }
0x53: {  	_ =	shalt  }
0x54: {  	_ =	shalt  }
0x55: {  	_ =	shalt  }
0x56: {  	_ =	shalt  }
0x57: {  	_ =	shalt  }
0x58: {  	_ =	shalt  }
0x59: {  	_ =	shalt  }
0x5a: {  	_ =	shalt  }
0x5b: {  	_ =	shalt  }
0x5c: {  	_ =	shalt  }
0x5d: {  	_ =	shalt  }
0x5e: {  	_ =	shalt  }
0x5f: {  	_ =	shalt  }
0x60: {  	_ =	shalt  }
0x61: {  	_ =	shalt  }
0x62: {  	_ =	shalt  }
0x63: {  	_ =	shalt  }
0x64: {  	_ =	shalt  }
0x65: {  	_ =	shalt  }
0x66: {  	_ =	shalt  }
0x67: {  	_ =	shalt  }
0x68: {  	_ =	shalt  }
0x69: {  	_ =	shalt  }
0x6a: {  	_ =	shalt  }
0x6b: {  	_ =	shalt  }
0x6c: {  	_ =	shalt  }
0x6d: {  	_ =	shalt  }
0x6e: {  	_ =	shalt  }
0x6f: {  	_ =	shalt  }
0x70: {  	_ =	shalt  }
0x71: {  	_ =	shalt  }
0x72: {  	_ =	shalt  }
0x73: {  	_ =	shalt  }
0x74: {  	_ =	shalt  }
0x75: {  	_ =	shalt  }
0x76: {  	_ =	shalt  }
0x77: {  	_ =	shalt  }
0x78: {  	_ =	shalt  }
0x79: {  	_ =	shalt  }
0x7a: {  	_ =	shalt  }
0x7b: {  	_ =	shalt  }
0x7c: {  	_ =	shalt  }
0x7d: {  	_ =	shalt  }
0x7e: {  	_ =	shalt  }
0x7f: {  	_ =	shalt  }
0x80: {  	_ =	shalt  }
0x81: {  	_ =	shalt  }
0x82: {  	_ =	shalt  }
0x83: {  	_ =	shalt  }
0x84: {  	_ =	shalt  }
0x85: {  	_ =	shalt  }
0x86: {  	_ =	shalt  }
0x87: {  	_ =	shalt  }
.Lfunc_end0:
.L_simem_size_0:
called_computation.1_lowered:
.L_overlay_start_0:
0x88: {  	s2 =	sld [smem:$0x3FD9]  }
0x89: {  	s3 =	sld [smem:$0x3FFE];
	_ =	sdelay $0x1  }
0x8a: {  	s1 =	srdreg.scid  }
0x8b: {  	s0 =	sand.u32 $0x1, s1  }
0x8c: {  	s14 =	sshll.u32 s0, $0xA;
	s2 =	sadd.s32 s3, s2  }
0x8d: {  	s2 =	sadd.s32 s2, s14  }
0x8e: {  	[smem:$0x3FB6] =	sst s2  }
0x8f: {  	_ = 	snop  }
0x90: {  	s2 =	sld [smem:$0x3FD0];
	_ =	sdelay $0x2  }
0x91: {  	s15 =	simm.s32 $0xA;
	s4 =	simm.s32 $0x10  }
0x92: {  	[smem:s4], [sflag:s15] =	dma.local [hbm:s2], $0x1  }
0x93: {  	_ =	swait.eq [sflag:s15], $0x1  }
0x94: {  	[sflag:s15] =	ssyncset.done $0x0  }
0x95: {  	[sflag:s15] =	ssyncadd.s32 $0xFFFFFFFF  }
0x96: {  	s16 =	sld [smem:$0x11];
	(tm) =	ssettm $0x1  }
0x97: {  	s17 =	sld [smem:$0x3FFB];
	_ =	sdelay $0x3  }
0x98: {  	_ =	strace s17  }
0x99: {  	s3 =	sld [smem:$0x3FFC];
	_ =	sdelay $0x3  }
0x9a: {  	_ =	strace s3  }
0x9b: {  	s3 =	sld [smem:$0x3FFD];
	_ =	sdelay $0x3  }
0x9c: {  	_ =	strace s3  }
0x9d: {  	_ =	strace $0x8FFFFFFF  }
0x9e: {  	s18 =	sld [smem:$0x3FDB];
	_ =	sdelay $0x1  }
0x9f: {  	s19 =	simm.s32 $_scs_section_size  }
0xa0: {  	s5 =	simm.s32 $_size__tile_overlayer_lowered;
	s6 =	simm.s32 $_tile_overlayer_lowered  }
0xa1: {  	s22 =	simm.s32 $0x1BFF;
	s21 =	sshll.u32 s6, $0x1;
	s3 =	sadd.s32 s19, s18  }
0xa2: {  	s7 =	simm.s32 $0x0;
	s20 =	sshll.u32 s5, $0x1;
	s5 =	sadd.s32 s21, s3  }
0xa3: {  	[timem:s7], [sflag:s22] =	dma.local [hbm:s5], s20  }
0xa4: {  	_ =	swait.ge [sflag:s22], s20  }
0xa5: {  	s4 =	ssub.s32 $0x0, s20;
	[sflag:s22] =	ssyncset.done $0x0  }
0xa6: {  	[sflag:s22] =	ssyncadd.s32 s4;
	_ =	sdelay $0x1  }
0xa7: {  	s23 =	simm.s32 $0x1B8B  }
0xa8: {  	_ =	swait.ge [sflag:s23], $0x1  }
0xa9: {  	[sflag:s23] =	ssyncset.done $0x0  }
0xaa: {  	s25 =	simm.s32 $0x1B8E;
	s24 =	sld [smem:$0x3FFE];
	[sflag:s23] =	ssyncadd.s32 $0xFFFFFFFF  }
0xab: {  	s26 =	simm.s32 $execute0_lowered;
	[smem:$0x3FD2] =	sst s25  }
0xac: {  	s5 =	sshll.u32 s26, $0x1;
	_ =	strace $0x80000049;
	[dreg:$0x1] =	wrdreg $0xFFFFFFFF  }
0xad: {  	s28 =	simm.s32 $_size_execute0_lowered;
	s3 =	sadd.s32 s3, s5;
	[dreg:$0x0] =	wrdreg $0x0  }
0xae: {  	s5 =	sshll.u32 s28, $0x1;
	[dreg:$0x2] =	wrdreg s3  }
0xaf: {  	[dreg:$0x3] =	wrdreg s5  }
0xb0: {  	[dreg:$0x4] =	wrdreg $0xC0  }
0xb1: {  	_ =	task [dreg:s7], $0x5FFFF  }
0xb2: {  	[dreg:$0x1] =	wrdreg $0xFFFFFFFF  }
0xb3: {  	[dreg:$0x0] =	wrdreg $0x60  }
0xb4: {  	[dreg:$0x2] =	wrdreg s24  }
0xb5: {  	[dreg:$0x3] =	wrdreg s16  }
0xb6: {  	[dreg:$0x4] =	wrdreg $0x9  }
0xb7: {  	_ =	task.clear_ibuf [dreg:s7], $0x5FFFF;
	_ =	strace $0x90000049  }
0xb8: {  	s29 =	simm.s32 $0x9;
	_ =	strace $0x8000004B  }
0xb9: {  	_ =	swait.ge [sflag:s29], $0x1  }
0xba: {  	[sflag:s29] =	ssyncadd.s32 $0xFFFFFFFF  }
0xbb: {  	_ =	strace $0x9000004B  }
0xbc: {  	_ =	sfence  }
0xbd: {  	s30 =	sld [smem:$0x0];
	_ =	sdelay $0x2  }
0xbe: {  	s31 =	sshll.u32 s1, $0xD;
	s1 =	sshrl.u32 s1, $0x2  }
0xbf: {  	s3 =	sand.u32 $0x4000, s31;
	s1 =	sadd.s32 s1, s30  }
0xc0: {  	s0 =	sor.u32 s3, s0;
	s1 =	sshll.u32 s1, $0x11  }
0xc1: {  	s0 =	sor.u32 s1, s0  }
0xc2: {  	s0 =	sadd.s32 $0x8F2B, s0  }
0xc3: {  	[sflag:s0] =	ssyncadd.remote.s32 $0x1  }
0xc4: {  	_ =	sfence.sel $0xFFFF  }
0xc5: {  	[dreg:$0x0] =	wrdreg $0xFFFFFFFF;
	(pc) =	sbr.abs _section_cstart, $3  }
0xc6: {  	[dreg:$0x1] =	wrdreg $0xFFFFFFFF  }
0xc7: {  	_ =	task.clear_ibuf [dreg:s7], $0x2FFFF;
	_ =	strace $0x9FFFFFFF  }
0xc8: {  	(tm) =	ssettm $0x7FFFFFFF  }
0xc9: {  	_ =	shalt  }
tec
execute0_lowered:
.L_overlay_start_1:
0x0: {  	(tag) =	ssettag $0x1  }
0x1: {  	s1 =	srdreg.scid  }
0x2: {  	s1 =	sand.u32 $0x1, s1  }
0x3: {  	p0 =	seq.s32 s1, $0x1  }
.Ltmp0:
0x4: {  	_ = 	snop;
	(pc) =	sbr.rel @p0 .LBB2_6-.Ltmp0, $4  }
0x5: {  	s3 =	rddreg [dreg:$0x0]  }
0x6: {  	s2 =	rddreg [dreg:$0x1];
	s4 =	simm.s32 $0x0  }
0x7: {  	[smem:$0x7FF] =	sst s4  }
0x8: {  	s0 =	rddreg [dreg:$0x2];
	_ =	strace $0x8000004A;
	s1 =	stileid.u32  }
0x9: {  	s4 =	smul.u32 $0x4E2, s1  }
0xa: {  	s5 =	smul.u32 $0x500, s1  }
0xb: {  	s6 =	sadd.s32 $0x53A00, s3;
	s7 =	sadd.s32 s4, s3  }
0xc: {  	s31 =	sadd.s32 s5, s3;
	s4 =	sadd.s32 s2, s4;
	s3 =	simm.s32 $0x40  }
0xd: {  	v0 =	vimm.f32 $0.0e+00;
	s5 =	sadd.s32 $0xA3A00, s7;
	s2 =	sadd.s32 $0x54000, s31;
	s7 =	simm.s32 $0x0  }
.LBB2_2:
0xe: {  	p0 =	sne.s32 s3, $0x9FC0;
	[tilespmem:s7+$0x2800] =	vst v0;
	s7 =	smov.u32 s3;
	s3 =	sadd.s32 $0x40, s3  }
.Ltmp1:
0xf: {  	(pc) =	sbr.rel @p0 .LBB2_2-.Ltmp1, $2  }
0x10: {  	_ =	sdelay $0x2  }
0x11: {  	s7 =	sshra.s32 s7, $0x2  }
0x12: {  	[tilespmem:s7+$0x2800] =	vst v0;
	s3 =	simm.s32 $0x0;
	s29 =	simm.s32 $0x1  }
0x13: {  	[tilespmem:s3], [sflag:$0x1] =	stream.linear.gather [hbm4b:s6+s3], $0x2800, $0x38;
	[tilespmem:$0x9F00] =	vst v63  }
0x14: {  	_ =	swait.ge [sflag:s29], $0x2800  }
0x15: {  	[sflag:s29] =	ssyncset.done $0x0  }
0x16: {  	s30 =	simm.s32 $0x5000;
	[sflag:s29] =	ssyncadd.s32 $0xFFFFD800  }
0x17: {  	[tilespmem:s30], [sflag:$0x1] =	stream.linear.gather [hbm4b:s5+s3], $0x2710, $0x38;
	[tilespmem:$0x9F00] =	vst v63  }
0x18: {  	_ =	swait.ge [sflag:s29], $0x2710  }
0x19: {  	[sflag:s29] =	ssyncset.done $0x0  }
0x1a: {  	s31 =	simm.s32 $0x7780;
	[sflag:s29] =	ssyncadd.s32 $0xFFFFD8F0  }
0x1b: {  	[tilespmem:s31], [sflag:$0x1] =	stream.linear.gather [hbm4b:s4+s3], $0x2710, $0x38;
	[tilespmem:$0x9F00] =	vst v63  }
0x1c: {  	_ =	swait.ge [sflag:s29], $0x2710  }
0x1d: {  	s6 =	simm.s32 $0x0;
	[sflag:s29] =	ssyncset.done $0x0  }
0x1e: {  	s5 =	simm.s32 $0x40;
	s4 =	simm.s32 $0x2800;
	[sflag:s29] =	ssyncadd.s32 $0xFFFFD8F0  }
.LBB2_4:
0x1f: {  	p0 =	sne.s32 s5, $0x9C00;
	v0 =	vld [tilespmem:s6+$0x5000];
	_ =	sdelay $0x5  }
0x20: {  	v1 =	vld [tilespmem:s6+$0x7780];
	_ =	sdelay $0x1  }
0x21: {  	v0 =	vld.idx.msk [tilespmem:v0+s3+$0x0], $0xffff;
	_ =	sdelay $0x1  }
.Ltmp2:
0x22: {  	(pc) =	sbr.rel @p0 .LBB2_4-.Ltmp2, $2  }
0x23: {  	_ =	sdelay $0x2  }
0x24: {  	s6 =	sshra.s32 s5, $0x2;
	s5 =	sadd.s32 $0x40, s5;
	[tilespmem:v1+s4+$0x0] =	vst.idx.add.f32.msk $0xffff, v0  }
0x25: {  	v0 =	vld [tilespmem:s6+$0x5000];
	_ =	sdelay $0x4  }
0x26: {  	v1 =	vld [tilespmem:s6+$0x7780];
	_ =	sdelay $0x2  }
0x27: {  	v0 =	vld.idx.msk [tilespmem:v0+s3+$0x0], $0xffff;
	_ =	sdelay $0x4  }
0x28: {  	s29 =	simm.s32 $0x0;
	s30 =	simm.s32 $0x2800;
	s31 =	simm.s32 $0x1;
	[tilespmem:v1+s4+$0x0] =	vst.idx.add.f32.msk $0xffff, v0  }
0x29: {  	[hbm4b:s2+s29] =	stream.linear.scatter [tilespmem:s30], [sflag:$0x1], $0x2800, $0x38;
	[tilespmem:$0x9F00] =	vst v63  }
0x2a: {  	_ =	swait.ge [sflag:s31], $0x2800  }
0x2b: {  	[sflag:s31] =	ssyncset.done $0x0  }
0x2c: {  	[sflag:s31] =	ssyncadd.s32 $0xFFFFD800  }
.LBB2_6:
0x2d: {  	_ =	sfence.sel $0x180000  }
0x2e: {  	[bflag:$0x0] =	sbarrier.arrive $0xFFFF  }
0x2f: {  	p0 =	sne.s32 s1, $0x0;
	_ =	strace $0x9000004A  }
0x30: {  	s0 =	sadd.s32 @!p0 $0x100000, s0;
	[bflag:$0x2] =	sbarrier.arrive $0xFFFF  }
0x31: {  	[sflag:s0] =	ssyncadd.tile.s32 @!p0 $0x1;
	_ =	shalt  }
.Lfunc_end2:
_tile_overlayer_lowered:
.L_overlay_start_2:
0x32: {  	(tag) =	ssettag $0x2  }
0x33: {  	s0 =	rddreg [dreg:$0x0];
	s2 =	stileid.u32  }
0x34: {  	s1 =	rddreg [dreg:$0x1];
	p0 =	sne.s32 s2, $0x0  }
0x35: {  	s3 =	rddreg [dreg:$0x2];
	[bflag:$0x3] =	sbarrier.arrive $0xFFFF;
	s2 =	simm.s32 @!p0 $0x1C01  }
0x36: {  	[timem:s3], [sflag:s2] =	dma.local @!p0 [hbm:s0], s1  }
0x37: {  	s0 =	simm.s32 @!p0 $0x1  }
0x38: {  	_ =	swait.ge @!p0 [sflag:s0], s1  }
0x39: {  	s1 =	ssub.s32 @!p0 $0x0, s1;
	[sflag:s0] =	ssyncset.done @!p0 $0x0  }
0x3a: {  	[sflag:s0] =	ssyncadd.s32 @!p0 s1  }
0x3b: {  	[bflag:$0x3] =	sbarrier.arrive $0xFFFF  }
0x3c: {  	_ =	shalt  }

// kernel: kernel.7.cloned.1.call-start
scs
__scs_entry_jumppad:
0x0: {  	(pc) =	sbr.rel $0x88, $3  }
0x1: {  	(tag) =	ssettag $0x0;
	lr =	simm.s32 $0x1  }
0x2: {  	[smem:$0x3F8F] =	sst lr;
	_ =	strace $0xD0000000  }
0x3: {  	_ = 	snop  }
0x4: {  	_ = 	snop  }
0x5: {  	_ = 	snop  }
0x6: {  	_ = 	snop  }
0x7: {  	_ = 	snop  }
__scs_overlays_trampoline_lowered:
0x8: {  	[smem:$0x3F9E] =	sst s0  }
0x9: {  	[smem:$0x3F9F] =	sst s1  }
0xa: {  	[smem:$0x3FA0] =	sst s2  }
0xb: {  	[smem:$0x3FA1] =	sst s3  }
0xc: {  	[smem:$0x3FA2] =	sst s4  }
0xd: {  	[smem:$0x3FA3] =	sst s5  }
0xe: {  	[smem:$0x3FA4] =	sst s6  }
0xf: {  	[smem:$0x3FA5] =	sst s7  }
0x10: {  	[smem:$0x3FA6] =	sst s8  }
0x11: {  	[smem:$0x3FA7] =	sst s9;
	s0 =	simm.s32 @!p0 $0x0  }
0x12: {  	s1 =	sld [smem:$0x3F8D];
	s0 =	simm.s32 @p0 $0x1  }
0x13: {  	[smem:$0x3FA8] =	sst s0;
	s0 =	simm.s32 @!p1 $0x0  }
0x14: {  	s2 =	sld [smem:$0x3F8C];
	s0 =	simm.s32 @p1 $0x1  }
0x15: {  	[smem:$0x3FA9] =	sst s0;
	s0 =	simm.s32 @!p2 $0x0  }
0x16: {  	s3 =	sld [smem:$0x3FDB];
	s0 =	simm.s32 @p2 $0x1  }
0x17: {  	s4 =	simm.s32 $0x1BF5;
	[smem:$0x3FAB] =	sst s0  }
0x18: {  	s0 =	sld [smem:$0x3F8E];
	_ =	swait.ge [sflag:s4], $0x0  }
0x19: {  	s7 =	sld [smem:$0x3F8F]  }
0x1a: {  	s8 =	sadd.s32 $0xFFFFE003, lr  }
0x1b: {  	s9 =	sadd.s32 $0xFFFFFEF7, lr;
	s5 =	simm.s32 $0xFFFFFFFF;
	p2 =	slt.u32 s8, $0xFFFFF086  }
0x1c: {  	p1 =	slt.u32 s9, $0xF7A;
	s5 =	simm.s32 @!p2 $0x0  }
0x1d: {  	s5 =	simm.s32 @p1 $0x1;
	p0 =	seq.s32 s7, s2  }
0x1e: {  	s7 =	smul.u32 @!p0 $0xF7A, s2;
	p2 =	seq.s32 @!p0 s5, $0x0  }
0x1f: {  	s9 =	smul.u32 $0xF7A, s1;
	s8 =	simm.s32 @!p0 $0x1BF5;
	p2 =	por !p2, p0  }
0x20: {  	[sflag:s8] =	ssyncset.s32 @!p0 $0xFFFFF086;
	s6 =	sadd.s32 @!p0 s3, s7;
	s7 =	simm.s32 @!p0 $0x108  }
0x21: {  	s3 =	sadd.s32 s3, s9;
	s6 =	sadd.s32 @!p0 $0x88, s6;
	s7 =	simm.s32 @p2 $0x1082  }
0x22: {  	[simem:s7], [sflag:s8] =	dma.local @!p0 [hbm:s6], $0xF7A  }
0x23: {  	s9 =	sor.u32 $0xD0000000, s2;
	s6 =	simm.s32 $0x108;
	_ =	swait.ge @!p0 [sflag:s8], $0x0  }
0x24: {  	s3 =	sadd.s32 $0x88, s3;
	s6 =	simm.s32 @!p1 $0x1082;
	[sflag:s4] =	ssyncset.s32 $0xFFFFF086  }
0x25: {  	[simem:s6], [sflag:s4] =	dma.local [hbm:s3], $0xF7A  }
0x26: {  	[smem:$0x3F8F] =	sst s1;
	(tag) =	ssettag s2;
	_ =	strace s9  }
0x27: {  	s1 =	sld [smem:$0x3F9F]  }
0x28: {  	s2 =	sld [smem:$0x3FA0]  }
0x29: {  	s4 =	sld [smem:$0x3FA2]  }
0x2a: {  	p0 =	seq.s32 s5, $0x0;
	s5 =	sld [smem:$0x3FA3]  }
0x2b: {  	s6 =	sld [smem:$0x3FA4]  }
0x2c: {  	s7 =	sld [smem:$0x3FA5]  }
0x2d: {  	s3 =	simm.s32 $0x108;
	s8 =	sld [smem:$0x3FA6]  }
0x2e: {  	s3 =	simm.s32 @!p0 $0x1082;
	s9 =	sld [smem:$0x3FA7]  }
0x2f: {  	lr =	sadd.s32 s0, s3;
	s0 =	sld [smem:$0x3F9E]  }
0x30: {  	s3 =	sld [smem:$0x3FA1]  }
0x31: {  	[smem:$0x3FAA] =	sst s10  }
0x32: {  	s10 =	sld [smem:$0x3FA8];
	_ =	sdelay $0x3  }
0x33: {  	p0 =	seq.s32 s10, $0x1;
	s10 =	sld [smem:$0x3FAA];
	_ =	sdelay $0x3  }
0x34: {  	[smem:$0x3FAA] =	sst s10  }
0x35: {  	s10 =	sld [smem:$0x3FA9];
	_ =	sdelay $0x3  }
0x36: {  	p1 =	seq.s32 s10, $0x1;
	s10 =	sld [smem:$0x3FAA];
	_ =	sdelay $0x3  }
0x37: {  	[smem:$0x3FAA] =	sst s10  }
0x38: {  	s10 =	sld [smem:$0x3FAB]  }
0x39: {  	_ = 	snop;
	(pc) =	sbr.ind lr, $3  }
0x3a: {  	_ = 	snop  }
0x3b: {  	_ = 	snop  }
0x3c: {  	p2 =	seq.s32 s10, $0x1;
	s10 =	sld [smem:$0x3FAA]  }
0x3d: {  	_ =	shalt  }
0x3e: {  	_ =	shalt  }
0x3f: {  	_ =	shalt  }
0x40: {  	_ =	shalt  }
0x41: {  	_ =	shalt  }
0x42: {  	_ =	shalt  }
0x43: {  	_ =	shalt  }
0x44: {  	_ =	shalt  }
0x45: {  	_ =	shalt  }
0x46: {  	_ =	shalt  }
0x47: {  	_ =	shalt  }
0x48: {  	_ =	shalt  }
0x49: {  	_ =	shalt  }
0x4a: {  	_ =	shalt  }
0x4b: {  	_ =	shalt  }
0x4c: {  	_ =	shalt  }
0x4d: {  	_ =	shalt  }
0x4e: {  	_ =	shalt  }
0x4f: {  	_ =	shalt  }
0x50: {  	_ =	shalt  }
0x51: {  	_ =	shalt  }
0x52: {  	_ =	shalt  }
0x53: {  	_ =	shalt  }
0x54: {  	_ =	shalt  }
0x55: {  	_ =	shalt  }
0x56: {  	_ =	shalt  }
0x57: {  	_ =	shalt  }
0x58: {  	_ =	shalt  }
0x59: {  	_ =	shalt  }
0x5a: {  	_ =	shalt  }
0x5b: {  	_ =	shalt  }
0x5c: {  	_ =	shalt  }
0x5d: {  	_ =	shalt  }
0x5e: {  	_ =	shalt  }
0x5f: {  	_ =	shalt  }
0x60: {  	_ =	shalt  }
0x61: {  	_ =	shalt  }
0x62: {  	_ =	shalt  }
0x63: {  	_ =	shalt  }
0x64: {  	_ =	shalt  }
0x65: {  	_ =	shalt  }
0x66: {  	_ =	shalt  }
0x67: {  	_ =	shalt  }
0x68: {  	_ =	shalt  }
0x69: {  	_ =	shalt  }
0x6a: {  	_ =	shalt  }
0x6b: {  	_ =	shalt  }
0x6c: {  	_ =	shalt  }
0x6d: {  	_ =	shalt  }
0x6e: {  	_ =	shalt  }
0x6f: {  	_ =	shalt  }
0x70: {  	_ =	shalt  }
0x71: {  	_ =	shalt  }
0x72: {  	_ =	shalt  }
0x73: {  	_ =	shalt  }
0x74: {  	_ =	shalt  }
0x75: {  	_ =	shalt  }
0x76: {  	_ =	shalt  }
0x77: {  	_ =	shalt  }
0x78: {  	_ =	shalt  }
0x79: {  	_ =	shalt  }
0x7a: {  	_ =	shalt  }
0x7b: {  	_ =	shalt  }
0x7c: {  	_ =	shalt  }
0x7d: {  	_ =	shalt  }
0x7e: {  	_ =	shalt  }
0x7f: {  	_ =	shalt  }
0x80: {  	_ =	shalt  }
0x81: {  	_ =	shalt  }
0x82: {  	_ =	shalt  }
0x83: {  	_ =	shalt  }
0x84: {  	_ =	shalt  }
0x85: {  	_ =	shalt  }
0x86: {  	_ =	shalt  }
0x87: {  	_ =	shalt  }
.Lfunc_end0:
.L_simem_size_0:
called_computation_lowered:
.L_overlay_start_0:
0x88: {  	s2 =	sld [smem:$0x3FD9]  }
0x89: {  	s3 =	sld [smem:$0x3FFE];
	_ =	sdelay $0x1  }
0x8a: {  	s1 =	srdreg.scid  }
0x8b: {  	s0 =	sand.u32 $0x1, s1  }
0x8c: {  	s14 =	sshll.u32 s0, $0xA;
	s2 =	sadd.s32 s3, s2  }
0x8d: {  	s2 =	sadd.s32 s2, s14  }
0x8e: {  	[smem:$0x3FB6] =	sst s2  }
0x8f: {  	_ = 	snop  }
0x90: {  	s2 =	sld [smem:$0x3FD0];
	_ =	sdelay $0x2  }
0x91: {  	s15 =	simm.s32 $0xA;
	s4 =	simm.s32 $0x10  }
0x92: {  	[smem:s4], [sflag:s15] =	dma.local [hbm:s2], $0x1  }
0x93: {  	_ =	swait.eq [sflag:s15], $0x1  }
0x94: {  	[sflag:s15] =	ssyncset.done $0x0  }
0x95: {  	[sflag:s15] =	ssyncadd.s32 $0xFFFFFFFF  }
0x96: {  	s16 =	sld [smem:$0x11];
	(tm) =	ssettm $0x1  }
0x97: {  	s17 =	sld [smem:$0x3FFB];
	_ =	sdelay $0x3  }
0x98: {  	_ =	strace s17  }
0x99: {  	s3 =	sld [smem:$0x3FFC];
	_ =	sdelay $0x3  }
0x9a: {  	_ =	strace s3  }
0x9b: {  	s3 =	sld [smem:$0x3FFD];
	_ =	sdelay $0x3  }
0x9c: {  	_ =	strace s3  }
0x9d: {  	_ =	strace $0x8FFFFFFF  }
0x9e: {  	s18 =	sld [smem:$0x3FDB];
	_ =	sdelay $0x1  }
0x9f: {  	s19 =	simm.s32 $_scs_section_size  }
0xa0: {  	s5 =	simm.s32 $_size__tile_overlayer_lowered;
	s6 =	simm.s32 $_tile_overlayer_lowered  }
0xa1: {  	s22 =	simm.s32 $0x1BFF;
	s21 =	sshll.u32 s6, $0x1;
	s3 =	sadd.s32 s19, s18  }
0xa2: {  	s7 =	simm.s32 $0x0;
	s20 =	sshll.u32 s5, $0x1;
	s5 =	sadd.s32 s21, s3  }
0xa3: {  	[timem:s7], [sflag:s22] =	dma.local [hbm:s5], s20  }
0xa4: {  	_ =	swait.ge [sflag:s22], s20  }
0xa5: {  	s4 =	ssub.s32 $0x0, s20;
	[sflag:s22] =	ssyncset.done $0x0  }
0xa6: {  	[sflag:s22] =	ssyncadd.s32 s4;
	_ =	sdelay $0x1  }
0xa7: {  	s23 =	simm.s32 $0x1B8B  }
0xa8: {  	_ =	swait.ge [sflag:s23], $0x1  }
0xa9: {  	[sflag:s23] =	ssyncset.done $0x0  }
0xaa: {  	s25 =	simm.s32 $0x1B8E;
	s24 =	sld [smem:$0x3FFE];
	[sflag:s23] =	ssyncadd.s32 $0xFFFFFFFF  }
0xab: {  	s26 =	simm.s32 $execute0_lowered;
	[smem:$0x3FD2] =	sst s25  }
0xac: {  	s5 =	sshll.u32 s26, $0x1;
	_ =	strace $0x80000046;
	[dreg:$0x1] =	wrdreg $0xFFFFFFFF  }
0xad: {  	s28 =	simm.s32 $_size_execute0_lowered;
	s3 =	sadd.s32 s3, s5;
	[dreg:$0x0] =	wrdreg $0x0  }
0xae: {  	s5 =	sshll.u32 s28, $0x1;
	[dreg:$0x2] =	wrdreg s3  }
0xaf: {  	[dreg:$0x3] =	wrdreg s5  }
0xb0: {  	[dreg:$0x4] =	wrdreg $0xC0  }
0xb1: {  	_ =	task [dreg:s7], $0x5FFFF  }
0xb2: {  	[dreg:$0x1] =	wrdreg $0xFFFFFFFF  }
0xb3: {  	[dreg:$0x0] =	wrdreg $0x60  }
0xb4: {  	[dreg:$0x2] =	wrdreg s24  }
0xb5: {  	[dreg:$0x3] =	wrdreg s16  }
0xb6: {  	[dreg:$0x4] =	wrdreg $0x7A000  }
0xb7: {  	[dreg:$0x5] =	wrdreg $0x9  }
0xb8: {  	_ =	task.clear_ibuf [dreg:s7], $0x6FFFF;
	_ =	strace $0x90000046  }
0xb9: {  	s29 =	simm.s32 $0x9;
	_ =	strace $0x80000048  }
0xba: {  	_ =	swait.ge [sflag:s29], $0x1  }
0xbb: {  	[sflag:s29] =	ssyncadd.s32 $0xFFFFFFFF  }
0xbc: {  	_ =	strace $0x90000048  }
0xbd: {  	_ =	sfence  }
0xbe: {  	s30 =	sld [smem:$0x0];
	_ =	sdelay $0x2  }
0xbf: {  	s31 =	sshll.u32 s1, $0xD;
	s1 =	sshrl.u32 s1, $0x2  }
0xc0: {  	s3 =	sand.u32 $0x4000, s31;
	s1 =	sadd.s32 s1, s30  }
0xc1: {  	s0 =	sor.u32 s3, s0;
	s1 =	sshll.u32 s1, $0x11  }
0xc2: {  	s0 =	sor.u32 s1, s0  }
0xc3: {  	s0 =	sadd.s32 $0x8F2B, s0  }
0xc4: {  	[sflag:s0] =	ssyncadd.remote.s32 $0x1  }
0xc5: {  	_ =	sfence.sel $0xFFFF  }
0xc6: {  	[dreg:$0x0] =	wrdreg $0xFFFFFFFF;
	(pc) =	sbr.abs _section_cstart, $3  }
0xc7: {  	[dreg:$0x1] =	wrdreg $0xFFFFFFFF  }
0xc8: {  	_ =	task.clear_ibuf [dreg:s7], $0x2FFFF;
	_ =	strace $0x9FFFFFFF  }
0xc9: {  	(tm) =	ssettm $0x7FFFFFFF  }
tec
execute0_lowered:
.L_overlay_start_1:
0x0: {  	(tag) =	ssettag $0x1  }
0x1: {  	s0 =	rddreg [dreg:$0x0]  }
0x2: {  	s1 =	rddreg [dreg:$0x1]  }
0x3: {  	s2 =	rddreg [dreg:$0x2];
	s4 =	simm.s32 $0x0;
	s26 =	stileid.u32  }
0x4: {  	s7 =	srdreg.scid;
	s30 =	simm.s32 $0x3;
	s3 =	smul.u32 $0x2800, s26  }
0x5: {  	s31 =	simm.s32 $0x50;
	[smem:$0x7FF] =	sst s4;
	s8 =	smul.u32 $0x500, s26  }
0x6: {  	s5 =	sadd.s32 $0x3A00, s0;
	s6 =	sadd.s32 $0x2BA00, s0;
	s11 =	smul.u32 $0x2710, s26  }
0x7: {  	s9 =	sand.u32 $0x1, s7;
	s7 =	sadd.s32 $0xA3A00, s0;
	s13 =	smul.u32 $0x50000, s26  }
0x8: {  	s12 =	sadd.s32 $0xA8A00, s0;
	s17 =	smul.u32 $0x4E2, s26;
	_ =	strace $0x80000047  }
0x9: {  	s10 =	ssub.s32 $0x2, s9;
	[dreg:$0x5] =	wrdreg s12;
	p0 =	sne.s32 s9, $0x0  }
0xa: {  	s9 =	simm.s32 $0x5;
	s3 =	sadd.s32 s3, s0;
	s18 =	sshrl.u32 s10, $0x1  }
0xb: {  	s0 =	sadd.s32 s8, s0;
	s20 =	sshrl.u32 s11, $0x3;
	s11 =	sadd.s32 $0xF0, s11  }
0xc: {  	s24 =	sshrl.u32 s13, $0x2;
	s8 =	simm.s32 $0x180;
	s19 =	ssub.s32 s10, s18  }
0xd: {  	s21 =	sadd.s32 s7, s20;
	s22 =	sadd.s32 $0xA, s20;
	[dreg:$0x4] =	wrdreg s11  }
0xe: {  	s14 =	sadd.s32 s1, s20;
	s13 =	sadd.s32 s24, s2;
	[dreg:$0x6] =	wrdreg s21  }
0xf: {  	s25 =	sadd.s32 $0xD6000, s3;
	s3 =	sadd.s32 $0xAE000, s3;
	[dreg:$0x7] =	wrdreg s14  }
0x10: {  	s0 =	sadd.s32 $0xA9000, s0;
	s16 =	sadd.s32 $0x4D8, s20;
	[dreg:$0xa] =	wrdreg s25  }
0x11: {  	s24 =	sadd.s32 s17, s1;
	s10 =	simm.s32 $0x2;
	[dreg:$0xb] =	wrdreg s3  }
0x12: {  	s11 =	simm.s32 $0x4;
	s23 =	sadd.s32 s7, s22;
	[dreg:$0xc] =	wrdreg s0  }
0x13: {  	s12 =	sadd.s32 s1, s22;
	s14 =	sadd.s32 $0x2800, s13;
	[dreg:$0x8] =	wrdreg s23  }
0x14: {  	s15 =	sadd.s32 $0x5000, s13;
	s18 =	sadd.s32 $0x7800, s13;
	[dreg:$0x9] =	wrdreg s12  }
0x15: {  	s20 =	sadd.s32 s7, s16;
	s0 =	sadd.s32 s1, s16;
	[dreg:$0xe] =	wrdreg s14  }
0x16: {  	s25 =	sadd.s32 s17, s7;
	s21 =	sadd.s32 $0xC800, s13;
	[dreg:$0xf] =	wrdreg s15  }
0x17: {  	s28 =	sadd.s32 $0xF000, s13;
	s29 =	sadd.s32 $0x11800, s13;
	[dreg:$0x10] =	wrdreg s18  }
0x18: {  	s22 =	sadd.s32 $0x14, s24;
	s16 =	simm.s32 $0x1;
	[dreg:$0x12] =	wrdreg s20  }
0x19: {  	s3 =	simm.s32 $0x80;
	s17 =	simm.s32 $0x5200;
	[dreg:$0x13] =	wrdreg s0  }
.Ltmp0:
0x1a: {  	s12 =	smax.u32 s19, $0x1;
	[dreg:$0x14] =	wrdreg s21;
	(pc) =	sbr.rel .LBB2_1-.Ltmp0, $4  }
0x1b: {  	s19 =	sadd.s32 $0xA000, s13;
	[dreg:$0x15] =	wrdreg s22;
	s23 =	sadd.s32 $0x14, s25  }
0x1c: {  	s0 =	simm.s32 $0x200;
	s14 =	simm.s32 $0x7;
	[dreg:$0xd] =	wrdreg s12  }
0x1d: {  	s15 =	simm.s32 $0x100;
	s18 =	simm.s32 $0x6;
	[dreg:$0x11] =	wrdreg s19  }
0x1e: {  	v0 =	vimm.f32 $0.0e+00;
	v1 =	vimm.f32 $1.000000000e+00;
	[dreg:$0x16] =	wrdreg s23;
	s12 =	simm.s32 $0x2A00;
	s19 =	simm.s32 $0x0  }
.LBB2_9:
0x1f: {  	[tilespmem:s8], [sflag:$0x4] =	stream.linear.gather [hbm4b:s21+s4], $0x50, $0x38;
	[tilespmem:$0x1BA00] =	vst v63  }
0x20: {  	_ =	swait.ge [sflag:s9], $0x2800  }
0x21: {  	[sflag:s9] =	ssyncset.done $0x0  }
0x22: {  	[sflag:s9] =	ssyncadd.s32 $0xFFFFD800  }
0x23: {  	_ =	swait.ge [sflag:s10], $0x50  }
0x24: {  	[sflag:s10] =	ssyncset.done $0x0  }
0x25: {  	[sflag:s10] =	ssyncadd.s32 $0xFFFFFFB0  }
0x26: {  	_ =	swait.ge [sflag:s11], $0x50  }
0x27: {  	[sflag:s11] =	ssyncset.done $0x0  }
0x28: {  	[sflag:s11] =	ssyncadd.s32 $0xFFFFFFB0  }
0x29: {  	[tilespmem:s12], [sflag:$0x6] =	stream.indirect.gather [hbm4b:s6+s31], $0x80, s3, s31, $0xb8;
	[tilespmem:$0x1BA00] =	vst v63  }
0x2a: {  	_ = 	snop  }
0x2b: {  	[spmem:s2] =	stream.indirect.scatter.add.f32 [tilespmem:s0], [sflag:$0x7], $0x80, s15, s31, $0xb8;
	[tilespmem:$0x1BA00] =	vst v63  }
0x2c: {  	_ =	swait.ge [sflag:s14], $0x2800  }
0x2d: {  	[sflag:s14] =	ssyncset.done $0x0  }
0x2e: {  	s20 =	rddreg [dreg:$0x12];
	[sflag:s14] =	ssyncadd.s32 $0xFFFFD800  }
0x2f: {  	[tilespmem:s4], [sflag:$0x1] =	stream.linear.gather [hbm4b:s20+s4], $0x50, $0x38;
	[tilespmem:$0x1BA00] =	vst v63  }
0x30: {  	s23 =	rddreg [dreg:$0x13]  }
0x31: {  	[tilespmem:s15], [sflag:$0x3] =	stream.linear.gather [hbm4b:s23+s4], $0x50, $0x38;
	[tilespmem:$0x1BA00] =	vst v63  }
0x32: {  	_ =	swait.ge [sflag:s18], $0x2800  }
0x33: {  	[sflag:s18] =	ssyncset.done $0x0  }
0x34: {  	[sflag:s18] =	ssyncadd.s32 $0xFFFFD800  }
0x35: {  	_ =	swait.ge [sflag:s16], $0x50  }
0x36: {  	[sflag:s16] =	ssyncset.done $0x0  }
0x37: {  	[sflag:s16] =	ssyncadd.s32 $0xFFFFFFB0  }
0x38: {  	_ =	swait.ge [sflag:s30], $0x50  }
0x39: {  	[sflag:s30] =	ssyncset.done $0x0  }
0x3a: {  	[sflag:s30] =	ssyncadd.s32 $0xFFFFFFB0  }
0x3b: {  	[tilespmem:s0], [sflag:$0x5] =	stream.indirect.gather [hbm4b:s6+s31], $0x80, s4, s31, $0xb8;
	[tilespmem:$0x1BA00] =	vst v63  }
0x3c: {  	_ = 	snop  }
0x3d: {  	[spmem:s2] =	stream.indirect.scatter.add.f32 [tilespmem:s12], [sflag:$0x7], $0x80, s8, s31, $0xb8;
	[tilespmem:$0x1BA00] =	vst v63  }
0x3e: {  	_ =	swait.ge [sflag:s14], $0x2800  }
0x3f: {  	[sflag:s14] =	ssyncset.done $0x0  }
0x40: {  	[sflag:s14] =	ssyncadd.s32 $0xFFFFD800  }
0x41: {  	[tilespmem:s3], [sflag:$0x2] =	stream.linear.gather [hbm4b:s20+s4], $0x50, $0x38;
	[tilespmem:$0x1BA00] =	vst v63  }
0x42: {  	_ = 	snop  }
0x43: {  	[tilespmem:s8], [sflag:$0x4] =	stream.linear.gather [hbm4b:s23+s4], $0x50, $0x38;
	[tilespmem:$0x1BA00] =	vst v63  }
0x44: {  	_ =	swait.ge [sflag:s9], $0x2800  }
0x45: {  	[sflag:s9] =	ssyncset.done $0x0  }
0x46: {  	[sflag:s9] =	ssyncadd.s32 $0xFFFFD800  }
0x47: {  	[spmem:s2] =	stream.indirect.scatter.add.f32 [tilespmem:s0], [sflag:$0x7], $0x80, s15, s31, $0xb8;
	[tilespmem:$0x1BA00] =	vst v63  }
0x48: {  	_ =	swait.ge [sflag:s14], $0x2800  }
0x49: {  	[sflag:s14] =	ssyncset.done $0x0  }
0x4a: {  	[sflag:s14] =	ssyncadd.s32 $0xFFFFD800  }
0x4b: {  	_ =	swait.ge [sflag:s10], $0x50  }
0x4c: {  	[sflag:s10] =	ssyncset.done $0x0  }
0x4d: {  	[sflag:s10] =	ssyncadd.s32 $0xFFFFFFB0  }
0x4e: {  	_ =	swait.ge [sflag:s11], $0x50  }
0x4f: {  	[sflag:s11] =	ssyncset.done $0x0  }
0x50: {  	[sflag:s11] =	ssyncadd.s32 $0xFFFFFFB0  }
0x51: {  	s22 =	sshll.u32 s26, $0x6;
	[bflag:$0x0] =	sbarrier.arrive $0xFFFF  }
0x52: {  	s20 =	sor.u32 $0x1C07, s22;
	s23 =	sshrl.u32 s13, $0x3;
	s22 =	rddreg [dreg:$0xa]  }
0x53: {  	[hbm:s22], [sflag:s20] =	dma.local [spmem:s23], $0x2800  }
.LBB2_10:
0x54: {  	_ =	swait.ge [sflag:s14], $0x2800  }
0x55: {  	s19 =	sadd.s32 $0x1, s19;
	s20 =	rddreg [dreg:$0xd]  }
0x56: {  	p1 =	sne.s32 s19, s20  }
.Ltmp1:
0x57: {  	_ = 	snop;
	(pc) =	sbr.rel @!p1 .LBB2_11-.Ltmp1, $3  }
0x58: {  	_ =	sdelay $0x1  }
0x59: {  	[sflag:s14] =	ssyncset.done $0x0  }
0x5a: {  	[sflag:s14] =	ssyncadd.s32 $0xFFFFD800  }
.LBB2_1:
0x5b: {  	s20 =	rddreg [dreg:$0x5]  }
0x5c: {  	[tilespmem:s0], [sflag:$0x7] =	stream.linear.gather [hbm4b:s20+s4], $0x2800, $0x38;
	[tilespmem:$0x1BA00] =	vst v63  }
0x5d: {  	_ =	swait.ge [sflag:s14], $0x2800  }
0x5e: {  	[sflag:s14] =	ssyncset.done $0x0  }
0x5f: {  	[sflag:s14] =	ssyncadd.s32 $0xFFFFD800  }
0x60: {  	[spmem:s13] =	stream.linear.scatter [tilespmem:s0], [sflag:$0x7], $0x2800, $0x38;
	[tilespmem:$0x1BA00] =	vst v63  }
0x61: {  	_ =	swait.ge [sflag:s14], $0x2800  }
0x62: {  	[sflag:s14] =	ssyncset.done $0x0  }
0x63: {  	s22 =	rddreg [dreg:$0xe];
	[sflag:s14] =	ssyncadd.s32 $0xFFFFD800  }
0x64: {  	[spmem:s22] =	stream.linear.scatter [tilespmem:s0], [sflag:$0x7], $0x2800, $0x38;
	[tilespmem:$0x1BA00] =	vst v63  }
0x65: {  	_ =	swait.ge [sflag:s14], $0x2800  }
0x66: {  	[sflag:s14] =	ssyncset.done $0x0  }
0x67: {  	s23 =	rddreg [dreg:$0xf];
	[sflag:s14] =	ssyncadd.s32 $0xFFFFD800  }
0x68: {  	[spmem:s23] =	stream.linear.scatter [tilespmem:s0], [sflag:$0x7], $0x2800, $0x38;
	[tilespmem:$0x1BA00] =	vst v63  }
0x69: {  	_ =	swait.ge [sflag:s14], $0x2800  }
0x6a: {  	[sflag:s14] =	ssyncset.done $0x0  }
0x6b: {  	s21 =	rddreg [dreg:$0x10];
	[sflag:s14] =	ssyncadd.s32 $0xFFFFD800  }
0x6c: {  	[spmem:s21] =	stream.linear.scatter [tilespmem:s0], [sflag:$0x7], $0x2800, $0x38;
	[tilespmem:$0x1BA00] =	vst v63  }
0x6d: {  	_ =	swait.ge [sflag:s14], $0x2800  }
0x6e: {  	[sflag:s14] =	ssyncset.done $0x0  }
0x6f: {  	s22 =	rddreg [dreg:$0x11];
	[sflag:s14] =	ssyncadd.s32 $0xFFFFD800  }
0x70: {  	[spmem:s22] =	stream.linear.scatter [tilespmem:s0], [sflag:$0x7], $0x2800, $0x38;
	[tilespmem:$0x1BA00] =	vst v63  }
0x71: {  	_ =	swait.ge [sflag:s14], $0x2800  }
0x72: {  	[sflag:s14] =	ssyncset.done $0x0  }
0x73: {  	s23 =	rddreg [dreg:$0x14];
	[sflag:s14] =	ssyncadd.s32 $0xFFFFD800  }
0x74: {  	[spmem:s23] =	stream.linear.scatter [tilespmem:s0], [sflag:$0x7], $0x2800, $0x38;
	[tilespmem:$0x1BA00] =	vst v63  }
0x75: {  	_ =	swait.ge [sflag:s14], $0x2800  }
0x76: {  	[sflag:s14] =	ssyncset.done $0x0  }
0x77: {  	[sflag:s14] =	ssyncadd.s32 $0xFFFFD800  }
0x78: {  	[spmem:s28] =	stream.linear.scatter [tilespmem:s0], [sflag:$0x7], $0x2800, $0x38;
	[tilespmem:$0x1BA00] =	vst v63  }
0x79: {  	_ =	swait.ge [sflag:s14], $0x2800  }
0x7a: {  	[sflag:s14] =	ssyncset.done $0x0  }
0x7b: {  	[sflag:s14] =	ssyncadd.s32 $0xFFFFD800  }
0x7c: {  	[spmem:s29] =	stream.linear.scatter [tilespmem:s0], [sflag:$0x7], $0x2800, $0x38;
	[tilespmem:$0x1BA00] =	vst v63  }
0x7d: {  	_ =	swait.ge [sflag:s14], $0x2800  }
0x7e: {  	[sflag:s14] =	ssyncset.done $0x0  }
0x7f: {  	s20 =	simm.s32 $0x40;
	s21 =	simm.s32 $0x0;
	[sflag:s14] =	ssyncadd.s32 $0xFFFFD800  }
.LBB2_2:
0x80: {  	p1 =	sne.s32 s20, $0x9FC0;
	[tilespmem:s21+$0x5200] =	vst v0;
	s21 =	smov.u32 s20;
	s20 =	sadd.s32 $0x40, s20  }
.Ltmp2:
0x81: {  	(pc) =	sbr.rel @p1 .LBB2_2-.Ltmp2, $2  }
0x82: {  	_ =	sdelay $0x2  }
0x83: {  	s21 =	sshra.s32 s21, $0x2  }
0x84: {  	[tilespmem:s21+$0x5200] =	vst v0  }
0x85: {  	[bflag:$0x0] =	sbarrier.arrive $0xFFFF  }
0x86: {  	s20 =	rddreg [dreg:$0x6]  }
0x87: {  	[tilespmem:s4], [sflag:$0x1] =	stream.linear.gather [hbm4b:s20+s4], $0x50, $0x38;
	[tilespmem:$0x1BA00] =	vst v63  }
0x88: {  	s23 =	rddreg [dreg:$0x7]  }
0x89: {  	[tilespmem:s15], [sflag:$0x3] =	stream.linear.gather [hbm4b:s23+s4], $0x50, $0x38;
	[tilespmem:$0x1BA00] =	vst v63  }
0x8a: {  	_ =	swait.ge [sflag:s16], $0x50  }
.Ltmp3:
0x8b: {  	[sflag:s16] =	ssyncset.done $0x0;
	(pc) =	sbr.rel @p0 .LBB2_7-.Ltmp3, $4  }
0x8c: {  	[sflag:s16] =	ssyncadd.s32 $0xFFFFFFB0  }
0x8d: {  	_ =	swait.ge [sflag:s30], $0x50  }
0x8e: {  	[sflag:s30] =	ssyncset.done $0x0  }
0x8f: {  	[sflag:s30] =	ssyncadd.s32 $0xFFFFFFB0  }
0x90: {  	s21 =	rddreg [dreg:$0x8]  }
0x91: {  	s20 =	simm.s32 $0x0;
	s26 =	rddreg [dreg:$0x9]  }
0x92: {  	[tilespmem:s0], [sflag:$0x5] =	stream.indirect.gather [hbm4b:s5+s31], $0x80, s20, s31, $0xb8;
	[tilespmem:$0x1BA00] =	vst v63  }
0x93: {  	s22 =	rddreg [dreg:$0x15]  }
0x94: {  	[tilespmem:s3], [sflag:$0x2] =	stream.linear.gather [hbm4b:s21+s20], $0x50, $0x38;
	[tilespmem:$0x1BA00] =	vst v63  }
0x95: {  	s21 =	rddreg [dreg:$0x16]  }
0x96: {  	[tilespmem:s8], [sflag:$0x4] =	stream.linear.gather [hbm4b:s26+s20], $0x50, $0x38;
	[tilespmem:$0x1BA00] =	vst v63  }
.LBB2_5:
0x97: {  	_ =	swait.ge [sflag:s9], $0x2800  }
0x98: {  	[sflag:s9] =	ssyncset.done $0x0  }
0x99: {  	[sflag:s9] =	ssyncadd.s32 $0xFFFFD800  }
0x9a: {  	_ =	swait.ge [sflag:s10], $0x50  }
0x9b: {  	[sflag:s10] =	ssyncset.done $0x0  }
0x9c: {  	[sflag:s10] =	ssyncadd.s32 $0xFFFFFFB0  }
0x9d: {  	_ =	swait.ge [sflag:s11], $0x50  }
0x9e: {  	[sflag:s11] =	ssyncset.done $0x0  }
0x9f: {  	[sflag:s11] =	ssyncadd.s32 $0xFFFFFFB0  }
0xa0: {  	[tilespmem:s12], [sflag:$0x6] =	stream.indirect.gather [hbm4b:s5+s31], $0x80, s3, s31, $0xb8;
	[tilespmem:$0x1BA00] =	vst v63  }
0xa1: {  	_ = 	snop  }
0xa2: {  	[spmem:s2] =	stream.indirect.scatter.add.f32 [tilespmem:s0], [sflag:$0x7], $0x80, s15, s31, $0xb8;
	[tilespmem:$0x1BA00] =	vst v63  }
0xa3: {  	_ =	swait.ge [sflag:s14], $0x2800  }
0xa4: {  	[sflag:s14] =	ssyncset.done $0x0  }
0xa5: {  	[sflag:s14] =	ssyncadd.s32 $0xFFFFD800  }
0xa6: {  	v2 =	vld [tilespmem:$0x100];
	_ =	sdelay $0x7  }
0xa7: {  	[tilespmem:v2+s17+$0x0] =	vst.idx.add.f32.msk $0xffff, v1  }
0xa8: {  	v2 =	vld [tilespmem:$0x110];
	_ =	sdelay $0x7  }
0xa9: {  	[tilespmem:v2+s17+$0x0] =	vst.idx.add.f32.msk $0xffff, v1  }
0xaa: {  	v2 =	vld [tilespmem:$0x120];
	_ =	sdelay $0x7  }
0xab: {  	[tilespmem:v2+s17+$0x0] =	vst.idx.add.f32.msk $0xffff, v1  }
0xac: {  	v2 =	vld [tilespmem:$0x130];
	_ =	sdelay $0x7  }
0xad: {  	[tilespmem:v2+s17+$0x0] =	vst.idx.add.f32.msk $0xffff, v1  }
0xae: {  	v2 =	vld [tilespmem:$0x140];
	_ =	sdelay $0x7  }
0xaf: {  	[tilespmem:v2+s17+$0x0] =	vst.idx.add.f32.msk $0xffff, v1  }
0xb0: {  	[tilespmem:s4], [sflag:$0x1] =	stream.linear.gather [hbm4b:s21+s4], $0x50, $0x38;
	[tilespmem:$0x1BA00] =	vst v63  }
0xb1: {  	_ = 	snop  }
0xb2: {  	[tilespmem:s15], [sflag:$0x3] =	stream.linear.gather [hbm4b:s22+s4], $0x50, $0x38;
	[tilespmem:$0x1BA00] =	vst v63  }
0xb3: {  	_ =	swait.ge [sflag:s18], $0x2800  }
0xb4: {  	[sflag:s18] =	ssyncset.done $0x0  }
0xb5: {  	[sflag:s18] =	ssyncadd.s32 $0xFFFFD800  }
0xb6: {  	_ =	swait.ge [sflag:s16], $0x50  }
0xb7: {  	[sflag:s16] =	ssyncset.done $0x0  }
0xb8: {  	[sflag:s16] =	ssyncadd.s32 $0xFFFFFFB0  }
0xb9: {  	_ =	swait.ge [sflag:s30], $0x50  }
0xba: {  	[sflag:s30] =	ssyncset.done $0x0  }
0xbb: {  	[sflag:s30] =	ssyncadd.s32 $0xFFFFFFB0  }
0xbc: {  	[tilespmem:s0], [sflag:$0x5] =	stream.indirect.gather [hbm4b:s5+s31], $0x80, s4, s31, $0xb8;
	[tilespmem:$0x1BA00] =	vst v63  }
0xbd: {  	_ = 	snop  }
0xbe: {  	[spmem:s2] =	stream.indirect.scatter.add.f32 [tilespmem:s12], [sflag:$0x7], $0x80, s8, s31, $0xb8;
	[tilespmem:$0x1BA00] =	vst v63  }
0xbf: {  	_ =	swait.ge [sflag:s14], $0x2800  }
0xc0: {  	[sflag:s14] =	ssyncset.done $0x0  }
0xc1: {  	[sflag:s14] =	ssyncadd.s32 $0xFFFFD800  }
0xc2: {  	v2 =	vld [tilespmem:$0x180];
	_ =	sdelay $0x7  }
0xc3: {  	[tilespmem:v2+s17+$0x0] =	vst.idx.add.f32.msk $0xffff, v1  }
0xc4: {  	v2 =	vld [tilespmem:$0x190];
	_ =	sdelay $0x7  }
0xc5: {  	[tilespmem:v2+s17+$0x0] =	vst.idx.add.f32.msk $0xffff, v1  }
0xc6: {  	v2 =	vld [tilespmem:$0x1A0];
	_ =	sdelay $0x7  }
0xc7: {  	[tilespmem:v2+s17+$0x0] =	vst.idx.add.f32.msk $0xffff, v1  }
0xc8: {  	v2 =	vld [tilespmem:$0x1B0];
	_ =	sdelay $0x7  }
0xc9: {  	[tilespmem:v2+s17+$0x0] =	vst.idx.add.f32.msk $0xffff, v1  }
0xca: {  	v2 =	vld [tilespmem:$0x1C0];
	_ =	sdelay $0x2  }
0xcb: {  	s23 =	smin.u32 s20, $0x79  }
0xcc: {  	s23 =	smul.u32 $0x50, s23  }
0xcd: {  	s26 =	rddreg [dreg:$0x4]  }
0xce: {  	p1 =	sne.s32 s20, $0x7A;
	s23 =	sadd.s32 s23, s26  }
.Ltmp4:
0xcf: {  	s23 =	sshrl.u32 s23, $0x3;
	(pc) =	sbr.rel @p1 .LBB2_5-.Ltmp4, $4  }
0xd0: {  	s20 =	sadd.s32 $0x2, s20;
	s26 =	sadd.s32 s7, s23;
	[tilespmem:v2+s17+$0x0] =	vst.idx.add.f32.msk $0xffff, v1  }
0xd1: {  	[tilespmem:s3], [sflag:$0x2] =	stream.linear.gather [hbm4b:s26+s4], $0x50, $0x38;
	[tilespmem:$0x1BA00] =	vst v63  }
0xd2: {  	s21 =	sadd.s32 $0x14, s21;
	s22 =	sadd.s32 $0x14, s22;
	s23 =	sadd.s32 s1, s23  }
0xd3: {  	[tilespmem:s8], [sflag:$0x4] =	stream.linear.gather [hbm4b:s23+s4], $0x50, $0x38;
	[tilespmem:$0x1BA00] =	vst v63  }
0xd4: {  	_ =	swait.ge [sflag:s9], $0x2800  }
0xd5: {  	[sflag:s9] =	ssyncset.done $0x0  }
0xd6: {  	[sflag:s9] =	ssyncadd.s32 $0xFFFFD800  }
0xd7: {  	[spmem:s2] =	stream.indirect.scatter.add.f32 [tilespmem:s0], [sflag:$0x7], $0x80, s15, s31, $0xb8;
	[tilespmem:$0x1BA00] =	vst v63  }
0xd8: {  	_ =	swait.ge [sflag:s14], $0x2800  }
0xd9: {  	[sflag:s14] =	ssyncset.done $0x0  }
0xda: {  	[sflag:s14] =	ssyncadd.s32 $0xFFFFD800  }
0xdb: {  	v2 =	vld [tilespmem:$0x100];
	_ =	sdelay $0x7  }
0xdc: {  	[tilespmem:v2+s17+$0x0] =	vst.idx.add.f32.msk $0xffff, v1  }
0xdd: {  	v2 =	vld [tilespmem:$0x110];
	_ =	sdelay $0x7  }
0xde: {  	[tilespmem:v2+s17+$0x0] =	vst.idx.add.f32.msk $0xffff, v1  }
0xdf: {  	v2 =	vld [tilespmem:$0x120];
	_ =	sdelay $0x7  }
0xe0: {  	[tilespmem:v2+s17+$0x0] =	vst.idx.add.f32.msk $0xffff, v1  }
0xe1: {  	v2 =	vld [tilespmem:$0x130];
	_ =	sdelay $0x7  }
0xe2: {  	[tilespmem:v2+s17+$0x0] =	vst.idx.add.f32.msk $0xffff, v1  }
0xe3: {  	v2 =	vld [tilespmem:$0x140];
	_ =	sdelay $0x7  }
0xe4: {  	[tilespmem:v2+s17+$0x0] =	vst.idx.add.f32.msk $0xffff, v1  }
0xe5: {  	_ =	swait.ge [sflag:s10], $0x50  }
0xe6: {  	[sflag:s10] =	ssyncset.done $0x0  }
0xe7: {  	[sflag:s10] =	ssyncadd.s32 $0xFFFFFFB0  }
0xe8: {  	_ =	swait.ge [sflag:s11], $0x50  }
0xe9: {  	[sflag:s11] =	ssyncset.done $0x0  }
0xea: {  	s26 =	stileid.u32;
	[sflag:s11] =	ssyncadd.s32 $0xFFFFFFB0  }
0xeb: {  	s20 =	sshll.u32 s26, $0x6;
	[bflag:$0x0] =	sbarrier.arrive $0xFFFF  }
0xec: {  	s21 =	sshrl.u32 s13, $0x3;
	s20 =	sor.u32 $0x1C07, s20;
	s22 =	rddreg [dreg:$0xb]  }
0xed: {  	[hbm:s22], [sflag:s20] =	dma.local [spmem:s21], $0x2800  }
.Ltmp5:
0xee: {  	_ = 	snop;
	(pc) =	sbr.rel .LBB2_10-.Ltmp5, $4  }
0xef: {  	_ =	swait.ge [sflag:s14], $0x2800  }
0xf0: {  	[sflag:s14] =	ssyncset.done $0x0  }
0xf1: {  	s23 =	rddreg [dreg:$0xc];
	[sflag:s14] =	ssyncadd.s32 $0xFFFFD800  }
0xf2: {  	[hbm4b:s23+s4] =	stream.linear.scatter [tilespmem:s17], [sflag:$0x7], $0x2800, $0x38;
	[tilespmem:$0x1BA00] =	vst v63  }
.LBB2_7:
0xf3: {  	[tilespmem:s0], [sflag:$0x5] =	stream.indirect.gather [hbm4b:s6+s31], $0x80, s4, s31, $0xb8;
	[tilespmem:$0x1BA00] =	vst v63  }
0xf4: {  	s20 =	rddreg [dreg:$0x8]  }
0xf5: {  	[tilespmem:s3], [sflag:$0x2] =	stream.linear.gather [hbm4b:s20+s4], $0x50, $0x38;
	[tilespmem:$0x1BA00] =	vst v63  }
0xf6: {  	s22 =	rddreg [dreg:$0x9]  }
0xf7: {  	[tilespmem:s8], [sflag:$0x4] =	stream.linear.gather [hbm4b:s22+s4], $0x50, $0x38;
	[tilespmem:$0x1BA00] =	vst v63  }
0xf8: {  	_ =	swait.ge [sflag:s9], $0x2800  }
0xf9: {  	[sflag:s9] =	ssyncset.done $0x0  }
0xfa: {  	[sflag:s9] =	ssyncadd.s32 $0xFFFFD800  }
0xfb: {  	_ =	swait.ge [sflag:s10], $0x50  }
0xfc: {  	[sflag:s10] =	ssyncset.done $0x0  }
0xfd: {  	[sflag:s10] =	ssyncadd.s32 $0xFFFFFFB0  }
0xfe: {  	_ =	swait.ge [sflag:s11], $0x50  }
0xff: {  	[sflag:s11] =	ssyncset.done $0x0  }
0x100: {  	[sflag:s11] =	ssyncadd.s32 $0xFFFFFFB0  }
0x101: {  	[tilespmem:s12], [sflag:$0x6] =	stream.indirect.gather [hbm4b:s6+s31], $0x80, s3, s31, $0xb8;
	[tilespmem:$0x1BA00] =	vst v63  }
0x102: {  	_ = 	snop  }
0x103: {  	[spmem:s2] =	stream.indirect.scatter.add.f32 [tilespmem:s0], [sflag:$0x7], $0x80, s15, s31, $0xb8;
	[tilespmem:$0x1BA00] =	vst v63  }
0x104: {  	_ =	swait.ge [sflag:s14], $0x2800  }
0x105: {  	s20 =	sadd.s32 $0xFFFFFB3C, s25;
	[sflag:s14] =	ssyncset.done $0x0  }
0x106: {  	s21 =	sadd.s32 $0x4D8, s20;
	s22 =	sadd.s32 $0xFFFFFB3C, s24;
	[sflag:s14] =	ssyncadd.s32 $0xFFFFD800  }
0x107: {  	[tilespmem:s4], [sflag:$0x1] =	stream.linear.gather [hbm4b:s21+s4], $0x50, $0x38;
	[tilespmem:$0x1BA00] =	vst v63  }
0x108: {  	s23 =	sadd.s32 $0x4D8, s22  }
0x109: {  	[tilespmem:s15], [sflag:$0x3] =	stream.linear.gather [hbm4b:s23+s4], $0x50, $0x38;
	[tilespmem:$0x1BA00] =	vst v63  }
0x10a: {  	_ =	swait.ge [sflag:s18], $0x2800  }
0x10b: {  	[sflag:s18] =	ssyncset.done $0x0  }
0x10c: {  	[sflag:s18] =	ssyncadd.s32 $0xFFFFD800  }
0x10d: {  	_ =	swait.ge [sflag:s16], $0x50  }
0x10e: {  	[sflag:s16] =	ssyncset.done $0x0  }
0x10f: {  	[sflag:s16] =	ssyncadd.s32 $0xFFFFFFB0  }
0x110: {  	_ =	swait.ge [sflag:s30], $0x50  }
0x111: {  	[sflag:s30] =	ssyncset.done $0x0  }
0x112: {  	[sflag:s30] =	ssyncadd.s32 $0xFFFFFFB0  }
0x113: {  	[tilespmem:s0], [sflag:$0x5] =	stream.indirect.gather [hbm4b:s6+s31], $0x80, s4, s31, $0xb8;
	[tilespmem:$0x1BA00] =	vst v63  }
0x114: {  	_ = 	snop  }
0x115: {  	[spmem:s2] =	stream.indirect.scatter.add.f32 [tilespmem:s12], [sflag:$0x7], $0x80, s8, s31, $0xb8;
	[tilespmem:$0x1BA00] =	vst v63  }
0x116: {  	_ =	swait.ge [sflag:s14], $0x2800  }
0x117: {  	[sflag:s14] =	ssyncset.done $0x0  }
0x118: {  	s20 =	sadd.s32 $0x4E2, s20;
	[sflag:s14] =	ssyncadd.s32 $0xFFFFD800  }
0x119: {  	[tilespmem:s3], [sflag:$0x2] =	stream.linear.gather [hbm4b:s20+s4], $0x50, $0x38;
	[tilespmem:$0x1BA00] =	vst v63  }
0x11a: {  	s21 =	sadd.s32 $0x4E2, s22;
	s20 =	simm.s32 $0xFFFFFB50  }
.LBB2_8:
0x11b: {  	[tilespmem:s8], [sflag:$0x4] =	stream.linear.gather [hbm4b:s21+s4], $0x50, $0x38;
	[tilespmem:$0x1BA00] =	vst v63  }
0x11c: {  	s21 =	smov.u32 s20  }
0x11d: {  	p1 =	sne.s32 s20, $0xFFFFFFEC;
	s20 =	sadd.s32 $0x14, s20;
	_ =	swait.ge [sflag:s9], $0x2800  }
0x11e: {  	[sflag:s9] =	ssyncset.done $0x0  }
0x11f: {  	[sflag:s9] =	ssyncadd.s32 $0xFFFFD800  }
0x120: {  	_ =	swait.ge [sflag:s10], $0x50  }
0x121: {  	[sflag:s10] =	ssyncset.done $0x0  }
0x122: {  	[sflag:s10] =	ssyncadd.s32 $0xFFFFFFB0  }
0x123: {  	_ =	swait.ge [sflag:s11], $0x50  }
0x124: {  	[sflag:s11] =	ssyncset.done $0x0  }
0x125: {  	[sflag:s11] =	ssyncadd.s32 $0xFFFFFFB0  }
0x126: {  	[tilespmem:s12], [sflag:$0x6] =	stream.indirect.gather [hbm4b:s6+s31], $0x80, s3, s31, $0xb8;
	[tilespmem:$0x1BA00] =	vst v63  }
0x127: {  	_ = 	snop  }
0x128: {  	[spmem:s2] =	stream.indirect.scatter.add.f32 [tilespmem:s0], [sflag:$0x7], $0x80, s15, s31, $0xb8;
	[tilespmem:$0x1BA00] =	vst v63  }
0x129: {  	_ =	swait.ge [sflag:s14], $0x2800  }
0x12a: {  	s22 =	sadd.s32 s21, s25;
	[sflag:s14] =	ssyncset.done $0x0  }
0x12b: {  	s21 =	sadd.s32 s21, s24;
	s23 =	sadd.s32 $0x4D8, s22;
	[sflag:s14] =	ssyncadd.s32 $0xFFFFD800  }
0x12c: {  	[tilespmem:s4], [sflag:$0x1] =	stream.linear.gather [hbm4b:s23+s4], $0x50, $0x38;
	[tilespmem:$0x1BA00] =	vst v63  }
0x12d: {  	s23 =	sadd.s32 $0x4D8, s21  }
0x12e: {  	[tilespmem:s15], [sflag:$0x3] =	stream.linear.gather [hbm4b:s23+s4], $0x50, $0x38;
	[tilespmem:$0x1BA00] =	vst v63  }
0x12f: {  	_ =	swait.ge [sflag:s18], $0x2800  }
0x130: {  	[sflag:s18] =	ssyncset.done $0x0  }
0x131: {  	[sflag:s18] =	ssyncadd.s32 $0xFFFFD800  }
0x132: {  	_ =	swait.ge [sflag:s16], $0x50  }
0x133: {  	[sflag:s16] =	ssyncset.done $0x0  }
0x134: {  	[sflag:s16] =	ssyncadd.s32 $0xFFFFFFB0  }
0x135: {  	_ =	swait.ge [sflag:s30], $0x50  }
0x136: {  	[sflag:s30] =	ssyncset.done $0x0  }
0x137: {  	[sflag:s30] =	ssyncadd.s32 $0xFFFFFFB0  }
0x138: {  	[tilespmem:s0], [sflag:$0x5] =	stream.indirect.gather [hbm4b:s6+s31], $0x80, s4, s31, $0xb8;
	[tilespmem:$0x1BA00] =	vst v63  }
0x139: {  	_ = 	snop  }
0x13a: {  	[spmem:s2] =	stream.indirect.scatter.add.f32 [tilespmem:s12], [sflag:$0x7], $0x80, s8, s31, $0xb8;
	[tilespmem:$0x1BA00] =	vst v63  }
.Ltmp6:
0x13b: {  	_ =	swait.ge [sflag:s14], $0x2800;
	(pc) =	sbr.rel @p1 .LBB2_8-.Ltmp6, $4  }
0x13c: {  	[sflag:s14] =	ssyncset.done $0x0  }
0x13d: {  	s22 =	sadd.s32 $0x4E2, s22;
	[sflag:s14] =	ssyncadd.s32 $0xFFFFD800  }
0x13e: {  	[tilespmem:s3], [sflag:$0x2] =	stream.linear.gather [hbm4b:s22+s4], $0x50, $0x38;
	[tilespmem:$0x1BA00] =	vst v63  }
0x13f: {  	s21 =	sadd.s32 $0x4E2, s21  }
.Ltmp7:
0x140: {  	_ = 	snop;
	(pc) =	sbr.rel .LBB2_9-.Ltmp7, $1  }
0x141: {  	_ =	sdelay $0x3  }
.LBB2_11:
0x142: {  	_ =	sfence.sel $0x180000  }
0x143: {  	[bflag:$0x0] =	sbarrier.arrive $0xFFFF  }
0x144: {  	_ =	strace $0x90000047  }
0x145: {  	[bflag:$0x2] =	sbarrier.arrive $0xFFFF  }
0x146: {  	p0 =	sne.s32 s26, $0x0;
	s0 =	rddreg [dreg:$0x3]  }
0x147: {  	s0 =	sadd.s32 @!p0 $0x100000, s0  }
0x148: {  	[sflag:s0] =	ssyncadd.tile.s32 @!p0 $0x1;
	_ =	shalt  }
.Lfunc_end2:
_tile_overlayer_lowered:
.L_overlay_start_2:
0x149: {  	(tag) =	ssettag $0x2  }
0x14a: {  	s0 =	rddreg [dreg:$0x0];
	s2 =	stileid.u32  }
0x14b: {  	s1 =	rddreg [dreg:$0x1];
	p0 =	sne.s32 s2, $0x0  }
0x14c: {  	s3 =	rddreg [dreg:$0x2];
	[bflag:$0x3] =	sbarrier.arrive $0xFFFF;
	s2 =	simm.s32 @!p0 $0x1C07  }
0x14d: {  	[timem:s3], [sflag:s2] =	dma.local @!p0 [hbm:s0], s1  }
0x14e: {  	s0 =	simm.s32 @!p0 $0x7  }
0x14f: {  	_ =	swait.ge @!p0 [sflag:s0], s1  }
0x150: {  	s1 =	ssub.s32 @!p0 $0x0, s1;
	[sflag:s0] =	ssyncset.done @!p0 $0x0  }
0x151: {  	[sflag:s0] =	ssyncadd.s32 @!p0 s1  }
0x152: {  	[bflag:$0x3] =	sbarrier.arrive $0xFFFF  }
0x153: {  	_ =	shalt  }

</sc_bundles>
